<compile_context>
chip_gen: v7x
topology: tpu7x:2x2x1
jax: 0.10.2.dev20260603
libtpu: 0.0.44.dev20260713+nightly
codegen_flags: <defaults>
</compile_context>

<pallas_src>
import functools

import jax
import jax.numpy as jnp
from jax import lax
from jax.experimental import pallas as pl
from jax.experimental.pallas import tpu as pltpu
from jax.experimental.pallas import tpu_sc as plsc

B = 8
L = 96
HW = 224 * 224
M = L * HW
R = 481690
RT1 = M - R + 1
NBINS = 65536
ROWS_PER_CORE = 4
WPB = 4
PER_W = M // WPB
CH = 24576
NCHUNK = PER_W // CH
NH = ROWS_PER_CORE * NBINS
ZSL = NH // 16


def _hist_body(phase2, y_hbm, bst_hbm, out_hbm, data, val, idx, misc, sh):
    c = lax.axis_index("c")
    s = lax.axis_index("s")
    bat = s // WPB
    g = s % WPB
    batch = c * ROWS_PER_CORE + bat
    base = batch * M + g * PER_W
    rowbase = jnp.broadcast_to(bat * NBINS, (16,))

    zeros16f = jnp.zeros((16,), jnp.float32)
    ones16f = jnp.ones((16,), jnp.float32)

    def zbody(i, carry):
        val[pl.ds(i * 16, 16)] = zeros16f
        return carry
    lax.fori_loop(0, CH // 16, zbody, 0)
    pltpu.sync_copy(val.at[pl.ds(0, ZSL)], sh.at[pl.ds(s * ZSL, ZSL)])
    plsc.subcore_barrier()

    if phase2:
        pltpu.sync_copy(bst_hbm.at[batch], misc)
        bvec = misc[...]
    else:
        def obody(i, carry):
            val[pl.ds(i * 16, 16)] = ones16f
            return carry
        lax.fori_loop(0, CH // 16, obody, 0)
        bvec = None

    def chunk_body(ci, carry):
        pltpu.sync_copy(y_hbm.at[pl.ds(base + ci * CH, CH)], data)

        def vbody(i, c2):
            o = pl.ds(i * 16, 16)
            b = data[o]
            t = lax.shift_right_logical(b, 16)
            neg16 = jnp.where(t < 0x8000, jnp.int32(0x8000), jnp.int32(0xFFFF))
            if not phase2:
                idx[o] = jnp.bitwise_xor(t, neg16) + rowbase
            else:
                top = jnp.bitwise_xor(t, neg16)
                low = jnp.bitwise_xor(
                    jnp.bitwise_and(b, 0xFFFF),
                    jnp.where(t < 0x8000, jnp.int32(0), jnp.int32(0xFFFF)))
                idx[o] = low + rowbase
                val[o] = jnp.where(top == bvec, jnp.float32(1.0),
                                   jnp.float32(0.0))
            return c2
        lax.fori_loop(0, CH // 16, vbody, 0)
        pltpu.sync_copy(val, sh.at[idx], add=True)
        return carry
    lax.fori_loop(0, NCHUNK, chunk_body, 0)
    plsc.subcore_barrier()

    @pl.when(g == 0)
    def _():
        pltpu.sync_copy(sh.at[pl.ds(bat * NBINS, NBINS)], out_hbm.at[batch])


_SCRATCH = lambda: [
    pltpu.VMEM((CH,), jnp.int32),
    pltpu.VMEM((CH,), jnp.float32),
    pltpu.VMEM((CH,), jnp.int32),
    pltpu.VMEM((16,), jnp.int32),
    pltpu.VMEM_SHARED((NH,), jnp.float32),
]


def _make_hist(phase2):
    mesh = plsc.VectorSubcoreMesh(core_axis_name="c", subcore_axis_name="s")

    if phase2:
        @functools.partial(
            pl.kernel,
            out_type=jax.ShapeDtypeStruct((B, NBINS), jnp.float32),
            mesh=mesh,
            scratch_types=_SCRATCH(),
        )
        def hist2(y_hbm, bst_hbm, out_hbm, data, val, idx, misc, sh):
            _hist_body(True, y_hbm, bst_hbm, out_hbm, data, val, idx, misc,
                       sh)
        return hist2

    @functools.partial(
        pl.kernel,
        out_type=jax.ShapeDtypeStruct((B, NBINS), jnp.float32),
        mesh=mesh,
        scratch_types=_SCRATCH(),
    )
    def hist1(y_hbm, out_hbm, data, val, idx, misc, sh):
        _hist_body(False, y_hbm, None, out_hbm, data, val, idx, misc, sh)
    return hist1


_hist_phase1 = _make_hist(False)
_hist_phase2 = _make_hist(True)


def _scan_body(final, h_ref, rt_ref, bst_ref, bin_ref, aux_ref):
    h = h_ref[...]
    rt = rt_ref[...][:, 0:1]
    i512 = lax.broadcasted_iota(jnp.int32, (B, 512, 128), 1)
    i128 = lax.broadcasted_iota(jnp.int32, (B, 512, 128), 2)
    flat = i512 * 128 + i128
    lo = jnp.full((B, 1), -1, jnp.int32)
    hi = jnp.full((B, 1), NBINS - 1, jnp.int32)
    for _ in range(16):
        mid = (lo + hi) // 2
        cnt = jnp.sum(jnp.where(flat <= mid[:, :, None], h, 0.0),
                      axis=(1, 2), keepdims=False).reshape(B, 1)
        ge = cnt >= rt
        hi = jnp.where(ge, mid, hi)
        lo = jnp.where(ge, lo, mid)
    bstar = hi
    below = jnp.sum(jnp.where(flat <= (bstar - 1)[:, :, None], h, 0.0),
                    axis=(1, 2)).reshape(B, 1)
    if final:
        word = jnp.bitwise_or(lax.shift_left(bst_ref[...][:, 0:1], 16), bstar)
        bits = jnp.where(word < 0,
                         jnp.bitwise_xor(word, jnp.int32(-0x80000000)),
                         ~word)
        aux = lax.bitcast_convert_type(bits, jnp.float32)
    else:
        aux = rt - below
    bin_ref[...] = jnp.broadcast_to(bstar, (B, 128))
    aux_ref[...] = jnp.broadcast_to(aux, (B, 128))


def _scan_call(final, h, rt, bst):
    args = [h, rt] + ([bst] if final else [])
    in_specs = [pl.BlockSpec((B, 512, 128), lambda: (0, 0, 0)),
                pl.BlockSpec((B, 128), lambda: (0, 0))]
    if final:
        in_specs.append(pl.BlockSpec((B, 128), lambda: (0, 0)))
        body = lambda h_ref, rt_ref, bst_ref, bin_ref, aux_ref: _scan_body(
            True, h_ref, rt_ref, bst_ref, bin_ref, aux_ref)
    else:
        body = lambda h_ref, rt_ref, bin_ref, aux_ref: _scan_body(
            False, h_ref, rt_ref, None, bin_ref, aux_ref)
    return pl.pallas_call(
        body,
        out_shape=(jax.ShapeDtypeStruct((B, 128), jnp.int32),
                   jax.ShapeDtypeStruct((B, 128), jnp.float32)),
        in_specs=in_specs,
        out_specs=(pl.BlockSpec((B, 128), lambda: (0, 0)),
                   pl.BlockSpec((B, 128), lambda: (0, 0))),
    )(*args)


LB = 8


def _mask_body(thr_ref, y_ref, o_ref):
    t = thr_ref[pl.program_id(0), 0] / jnp.float32(L)
    ys = y_ref[...] / jnp.float32(L)
    o_ref[...] = jnp.where(ys >= t, jnp.float32(1.0), jnp.float32(0.0))


def _mask_call(thr, y3):
    return pl.pallas_call(
        _mask_body,
        out_shape=jax.ShapeDtypeStruct((B, L, HW), jnp.float32),
        grid=(B, L // LB),
        in_specs=[
            pl.BlockSpec((B, 128), lambda b, j: (0, 0)),
            pl.BlockSpec((1, LB, HW), lambda b, j: (b, j, 0)),
        ],
        out_specs=pl.BlockSpec((1, LB, HW), lambda b, j: (b, j, 0)),
    )(thr, y3)


def kernel(Y):
    yf = lax.bitcast_convert_type(Y, jnp.int32).reshape(-1)
    rt1 = jnp.full((B, 128), jnp.float32(RT1))
    h1 = _hist_phase1(yf).reshape(B, 512, 128)
    bst1, resid = _scan_call(False, h1, rt1, None)
    h2 = _hist_phase2(yf, bst1[:, :16]).reshape(B, 512, 128)
    _, thr = _scan_call(True, h2, resid, bst1)
    y3 = Y.reshape(B, L, HW)
    mask = _mask_call(thr, y3)
    return mask.reshape(B, L, 224, 224).astype(jnp.complex64)

# --- scband reference (transcript-rebuilt; emitter-appended) ---
"""Pipeline reference for scband-get-ytr-85761906966757 (READ-ONLY COPY).

The authoritative reference and input builder live on the scoring server;
editing this copy changes nothing except your own understanding.
"""

import jax, jax.numpy as jnp
import numpy as np

P = 10.0  # init kwarg p

def setup_inputs(seed: int = 0):
    key = jax.random.key(seed)
    Y = jax.random.normal(key, (8, 96, 224, 224), dtype=jnp.float32)
    return {"Y": Y}

def reference(Y):
    B, L, H, W = Y.shape
    M = float(L * H * W)
    R = int(np.ceil(M / P))
    # Y_S = Y / L  (static L from build-time input_shape)
    Y_S = Y / float(L)
    y_s = Y_S.reshape(B, L * H * W)
    # descending sort along axis=1
    y_s = jnp.sort(y_s, axis=1)[:, ::-1]
    # gather the rank-R element (index R-1) per batch row as the threshold
    aux = y_s[:, R - 1]
    threshold = aux.reshape(B, 1, 1, 1)
    ytr = (Y_S >= threshold).astype(jnp.complex64)
    return ytr

if __name__ == "__main__":
    import jax
    _d = setup_inputs()
    print(jax.jit(kernel)(*tuple(_d.values())))

</pallas_src>

<mosaic_0001>
#map = affine_map<(d0, d1) -> (0)>
#map1 = affine_map<(d0, d1) -> (0, 0)>
module attributes {stable_mosaic.version = 14 : i64} {
  func.func @hist1(%arg0: i32, %arg1: i32, %arg2: memref<38535168xi32, #tpu.memory_space<hbm>>, %arg3: memref<8x65536xf32, #tpu.memory_space<hbm>>, %arg4: memref<24576xi32, #tpu.memory_space<vmem>>, %arg5: memref<24576xf32, #tpu.memory_space<vmem>>, %arg6: memref<24576xi32, #tpu.memory_space<vmem>>, %arg7: memref<16xi32, #tpu.memory_space<vmem>>, %arg8: memref<262144xf32, #tpu.memory_space<vmem_shared>>) attributes {dimension_semantics = [#tpu.dimension_semantics<core_parallel>, #tpu.dimension_semantics<subcore_parallel>], iteration_bounds = array<i64: 2, 16>, scalar_prefetch = 0 : i64, scratch_operands = 5 : i64, tpu.core_type = #tpu.core_type<sc_vector_subcore>, window_params = [{transform_indices = #map}, {transform_indices = #map1}]} {
    %jit3A = arith.constant 4 : i32
    %div3A = arith.divsi %arg1, %jit3A : i32
    %sign3A = arith.constant 0 : i32
    %sign3A_0 = arith.cmpi sgt, %arg1, %sign3A : i32
    %sign3A_1 = arith.extui %sign3A_0 : i1 to i32
    %sign3A_2 = arith.constant 0 : i32
    %sign3A_3 = arith.cmpi slt, %arg1, %sign3A_2 : i32
    %sign3A_4 = arith.extui %sign3A_3 : i1 to i32
    %sign3A_5 = arith.subi %sign3A_1, %sign3A_4 : i32
    %sign3A_6 = arith.constant 0 : i32
    %sign3A_7 = arith.cmpi sgt, %jit3A, %sign3A_6 : i32
    %sign3A_8 = arith.extui %sign3A_7 : i1 to i32
    %sign3A_9 = arith.constant 0 : i32
    %sign3A_10 = arith.cmpi slt, %jit3A, %sign3A_9 : i32
    %sign3A_11 = arith.extui %sign3A_10 : i1 to i32
    %sign3A_12 = arith.subi %sign3A_8, %sign3A_11 : i32
    %ne3A = arith.cmpi ne, %sign3A_5, %sign3A_12 : i32
    %rem3A = arith.remsi %arg1, %jit3A : i32
    %ne3A_13 = arith.constant 0 : i32
    %ne3A_14 = arith.cmpi ne, %rem3A, %ne3A_13 : i32
    %and3A = arith.andi %ne3A, %ne3A_14 : i1
    %sub3A = arith.constant 1 : i32
    %sub3A_15 = arith.subi %div3A, %sub3A : i32
    %select_n3A = arith.select %and3A, %sub3A_15, %div3A : i32
    %jit3A_16 = arith.constant 4 : i32
    %eq3A = arith.constant 0 : i32
    %eq3A_17 = arith.cmpi eq, %jit3A_16, %eq3A : i32
    %jit3A_18 = arith.constant 1 : i32
    %select_n3A_19 = arith.select %eq3A_17, %jit3A_18, %jit3A_16 : i32
    %rem3A_20 = arith.remsi %arg1, %select_n3A_19 : i32
    %ne3A_21 = arith.constant 0 : i32
    %ne3A_22 = arith.cmpi ne, %rem3A_20, %ne3A_21 : i32
    %lt3A = arith.constant 0 : i32
    %lt3A_23 = arith.cmpi slt, %rem3A_20, %lt3A : i32
    %lt3A_24 = arith.constant 0 : i32
    %lt3A_25 = arith.cmpi slt, %select_n3A_19, %lt3A_24 : i32
    %ne3A_26 = arith.xori %lt3A_23, %lt3A_25 : i1
    %and3A_27 = arith.andi %ne3A_26, %ne3A_22 : i1
    %add3A = arith.addi %rem3A_20, %select_n3A_19 : i32
    %select_n3A_28 = arith.select %and3A_27, %add3A, %rem3A_20 : i32
    %mul3A = arith.constant 4 : i32
    %mul3A_29 = arith.muli %arg0, %mul3A : i32
    %add3A_30 = arith.addi %mul3A_29, %select_n3A : i32
    %mul3A_31 = arith.constant 4816896 : i32
    %mul3A_32 = arith.muli %add3A_30, %mul3A_31 : i32
    %mul3A_33 = arith.constant 1204224 : i32
    %mul3A_34 = arith.muli %select_n3A_28, %mul3A_33 : i32
    %add3A_35 = arith.addi %mul3A_32, %mul3A_34 : i32
    %mul3A_36 = arith.constant 65536 : i32
    %mul3A_37 = arith.muli %select_n3A, %mul3A_36 : i32
    %broadcast_in_dim3A = vector.broadcast %mul3A_37 : i32 to vector<16xi32>
    %broadcast_in_dim3A_38 = arith.constant 0.000000e+00 : f32
    %broadcast_in_dim3A_39 = vector.broadcast %broadcast_in_dim3A_38 : f32 to vector<16xf32>
    %broadcast_in_dim3A_40 = arith.constant 1.000000e+00 : f32
    %broadcast_in_dim3A_41 = vector.broadcast %broadcast_in_dim3A_40 : f32 to vector<16xf32>
    %scan3A = arith.constant 0 : i32
    %scan3A_42 = arith.constant 0 : i32
    %scan3A_43 = arith.constant 1536 : i32
    %scan3A_44 = arith.addi %scan3A_42, %scan3A_43 : i32
    %scan3A_45 = arith.constant 1 : i32
    scf.for %scan3A_65 = %scan3A_42 to %scan3A_44 step %scan3A_45  : i32 {
      %mul3A_66 = arith.constant 16 : i32
      %mul3A_67 = arith.muli %scan3A_65, %mul3A_66 : i32
      %swap3A = arith.index_cast %mul3A_67 : i32 to index
      %swap3A_68 = tpu.vector_load %arg5[%swap3A] {strides = array<i32>} : memref<24576xf32, #tpu.memory_space<vmem>>, vector<16xf32>,
      %swap3A_69 = vector.shape_cast %swap3A_68 : vector<16xf32> to vector<16xf32>
      %swap3A_70 = vector.shape_cast %broadcast_in_dim3A_39 : vector<16xf32> to vector<16xf32>
      tpu.vector_store %arg5[%swap3A], %swap3A_70 {strides = array<i32>} : memref<24576xf32, #tpu.memory_space<vmem>>, vector<16xf32>,
    }
    %scan3A_46 = arith.constant 1536 : i32
    %mul3A_47 = arith.constant 16384 : i32
    %mul3A_48 = arith.muli %arg1, %mul3A_47 : i32
    "tpu.region"() ({
      %run_scoped3A = tpu.sem_alloc : memref<!tpu.dma_semaphore, #tpu.memory_space<semaphore_mem>>
      %dma_start3A = arith.constant 0 : i32
      %dma_start3A_65 = tpu.memref_slice %arg5[%dma_start3A] : memref<24576xf32, #tpu.memory_space<vmem>> -> memref<16384xf32, #tpu.memory_space<vmem>>
      %dma_start3A_66 = tpu.memref_slice %arg8[%mul3A_48] : memref<262144xf32, #tpu.memory_space<vmem_shared>> -> memref<16384xf32, #tpu.memory_space<vmem_shared>>
      %dma_start3A_67 = tpu.memref_slice %arg8[%mul3A_48] : memref<262144xf32, #tpu.memory_space<vmem_shared>> -> memref<16384xf32, #tpu.memory_space<vmem_shared>>
      %dma_start3A_68 = arith.constant 0 : i32
      %dma_start3A_69 = tpu.memref_slice %arg5[%dma_start3A_68] : memref<24576xf32, #tpu.memory_space<vmem>> -> memref<16384xf32, #tpu.memory_space<vmem>>
      tpu.enqueue_dma source(%dma_start3A_69 : memref<16384xf32, #tpu.memory_space<vmem>>) target(%dma_start3A_67 : memref<16384xf32, #tpu.memory_space<vmem_shared>>) target_semaphore(%run_scoped3A : memref<!tpu.dma_semaphore, #tpu.memory_space<semaphore_mem>>)
      %dma_wait3A = arith.constant 0 : i32
      %dma_wait3A_70 = tpu.memref_slice %arg5[%dma_wait3A] : memref<24576xf32, #tpu.memory_space<vmem>> -> memref<16384xf32, #tpu.memory_space<vmem>>
      %dma_wait3A_71 = tpu.memref_slice %arg8[%mul3A_48] : memref<262144xf32, #tpu.memory_space<vmem_shared>> -> memref<16384xf32, #tpu.memory_space<vmem_shared>>
      %dma_wait3A_72 = tpu.memref_slice %arg8[%mul3A_48] : memref<262144xf32, #tpu.memory_space<vmem_shared>> -> memref<16384xf32, #tpu.memory_space<vmem_shared>>
      %dma_wait3A_73 = arith.constant 0 : i32
      %dma_wait3A_74 = tpu.memref_slice %arg5[%dma_wait3A_73] : memref<24576xf32, #tpu.memory_space<vmem>> -> memref<16384xf32, #tpu.memory_space<vmem>>
      tpu.wait_dma2 semaphore(%run_scoped3A : memref<!tpu.dma_semaphore, #tpu.memory_space<semaphore_mem>>) src(%dma_wait3A_74 : memref<16384xf32, #tpu.memory_space<vmem>>) dst(%dma_wait3A_72 : memref<16384xf32, #tpu.memory_space<vmem_shared>>)
      tpu.yield
    }) : () -> ()
    %barrier3A = arith.constant 0 : index
    tpu.barrier barrier_id(%barrier3A)
    %scan3A_49 = arith.constant 0 : i32
    %scan3A_50 = arith.constant 0 : i32
    %scan3A_51 = arith.constant 1536 : i32
    %scan3A_52 = arith.addi %scan3A_50, %scan3A_51 : i32
    %scan3A_53 = arith.constant 1 : i32
    scf.for %scan3A_65 = %scan3A_50 to %scan3A_52 step %scan3A_53  : i32 {
      %mul3A_66 = arith.constant 16 : i32
      %mul3A_67 = arith.muli %scan3A_65, %mul3A_66 : i32
      %swap3A = arith.index_cast %mul3A_67 : i32 to index
      %swap3A_68 = tpu.vector_load %arg5[%swap3A] {strides = array<i32>} : memref<24576xf32, #tpu.memory_space<vmem>>, vector<16xf32>,
      %swap3A_69 = vector.shape_cast %swap3A_68 : vector<16xf32> to vector<16xf32>
      %swap3A_70 = vector.shape_cast %broadcast_in_dim3A_41 : vector<16xf32> to vector<16xf32>
      tpu.vector_store %arg5[%swap3A], %swap3A_70 {strides = array<i32>} : memref<24576xf32, #tpu.memory_space<vmem>>, vector<16xf32>,
    }
    %scan3A_54 = arith.constant 1536 : i32
    %scan3A_55 = arith.constant 0 : i32
    %scan3A_56 = arith.constant 0 : i32
    %scan3A_57 = arith.constant 49 : i32
    %scan3A_58 = arith.addi %scan3A_56, %scan3A_57 : i32
    %scan3A_59 = arith.constant 1 : i32
    scf.for %scan3A_65 = %scan3A_56 to %scan3A_58 step %scan3A_59  : i32 {
      %mul3A_66 = arith.constant 24576 : i32
      %mul3A_67 = arith.muli %scan3A_65, %mul3A_66 : i32
      %add3A_68 = arith.addi %add3A_35, %mul3A_67 : i32
      "tpu.region"() ({
        %run_scoped3A = tpu.sem_alloc : memref<!tpu.dma_semaphore, #tpu.memory_space<semaphore_mem>>
        %dma_start3A = tpu.memref_slice %arg2[%add3A_68] : memref<38535168xi32, #tpu.memory_space<hbm>> -> memref<24576xi32, #tpu.memory_space<hbm>>
        %dma_start3A_75 = tpu.memref_slice %arg2[%add3A_68] : memref<38535168xi32, #tpu.memory_space<hbm>> -> memref<24576xi32, #tpu.memory_space<hbm>>
        tpu.enqueue_dma source(%dma_start3A_75 : memref<24576xi32, #tpu.memory_space<hbm>>) target(%arg4 : memref<24576xi32, #tpu.memory_space<vmem>>) target_semaphore(%run_scoped3A : memref<!tpu.dma_semaphore, #tpu.memory_space<semaphore_mem>>)
        %dma_wait3A = tpu.memref_slice %arg2[%add3A_68] : memref<38535168xi32, #tpu.memory_space<hbm>> -> memref<24576xi32, #tpu.memory_space<hbm>>
        %dma_wait3A_76 = tpu.memref_slice %arg2[%add3A_68] : memref<38535168xi32, #tpu.memory_space<hbm>> -> memref<24576xi32, #tpu.memory_space<hbm>>
        tpu.wait_dma2 semaphore(%run_scoped3A : memref<!tpu.dma_semaphore, #tpu.memory_space<semaphore_mem>>) src(%dma_wait3A_76 : memref<24576xi32, #tpu.memory_space<hbm>>) dst(%arg4 : memref<24576xi32, #tpu.memory_space<vmem>>)
        tpu.yield
      }) : () -> ()
      %scan3A_69 = arith.constant 0 : i32
      %scan3A_70 = arith.constant 0 : i32
      %scan3A_71 = arith.constant 1536 : i32
      %scan3A_72 = arith.addi %scan3A_70, %scan3A_71 : i32
      %scan3A_73 = arith.constant 1 : i32
      scf.for %scan3A_75 = %scan3A_70 to %scan3A_72 step %scan3A_73  : i32 {
        %mul3A_76 = arith.constant 16 : i32
        %mul3A_77 = arith.muli %scan3A_75, %mul3A_76 : i32
        %get3A = arith.index_cast %mul3A_77 : i32 to index
        %get3A_78 = tpu.vector_load %arg4[%get3A] {strides = array<i32>} : memref<24576xi32, #tpu.memory_space<vmem>>, vector<16xi32>,
        %get3A_79 = vector.shape_cast %get3A_78 : vector<16xi32> to vector<16xi32>
        %shift_right_logical3A = arith.constant 16 : i32
        %shift_right_logical3A_80 = vector.broadcast %shift_right_logical3A : i32 to vector<16xi32>
        %shift_right_logical3A_81 = arith.shrui %get3A_79, %shift_right_logical3A_80 : vector<16xi32>
        %lt3A_82 = arith.constant 32768 : i32
        %lt3A_83 = vector.broadcast %lt3A_82 : i32 to vector<16xi32>
        %lt3A_84 = arith.cmpi slt, %shift_right_logical3A_81, %lt3A_83 : vector<16xi32>
        %jit3A_85 = arith.constant 32768 : i32
        %jit3A_86 = arith.constant 65535 : i32
        %broadcast_in_dim3A_87 = vector.broadcast %jit3A_85 : i32 to vector<16xi32>
        %broadcast_in_dim3A_88 = vector.broadcast %jit3A_86 : i32 to vector<16xi32>
        %select_n3A_89 = arith.select %lt3A_84, %broadcast_in_dim3A_87, %broadcast_in_dim3A_88 : vector<16xi1>, vector<16xi32>
        %xor3A = arith.xori %shift_right_logical3A_81, %select_n3A_89 : vector<16xi32>
        %add3A_90 = arith.addi %xor3A, %broadcast_in_dim3A : vector<16xi32>
        %swap3A = arith.index_cast %mul3A_77 : i32 to index
        %swap3A_91 = tpu.vector_load %arg6[%swap3A] {strides = array<i32>} : memref<24576xi32, #tpu.memory_space<vmem>>, vector<16xi32>,
        %swap3A_92 = vector.shape_cast %swap3A_91 : vector<16xi32> to vector<16xi32>
        %swap3A_93 = vector.shape_cast %add3A_90 : vector<16xi32> to vector<16xi32>
        tpu.vector_store %arg6[%swap3A], %swap3A_93 {strides = array<i32>} : memref<24576xi32, #tpu.memory_space<vmem>>, vector<16xi32>,
      }
      %scan3A_74 = arith.constant 1536 : i32
      "tpu.region"() ({
        %run_scoped3A = tpu.sem_alloc : memref<!tpu.dma_semaphore, #tpu.memory_space<semaphore_mem>>
        %dma_start3A = arith.constant 0 : i32
        %dma_start3A_75 = tpu.memref_slice %arg8[%dma_start3A] : memref<262144xf32, #tpu.memory_space<vmem_shared>> -> memref<262144xf32, #tpu.memory_space<vmem_shared>>
        tpu.enqueue_indirect_dma source(%arg5 : memref<24576xf32, #tpu.memory_space<vmem>>) target(%dma_start3A_75 : memref<262144xf32, #tpu.memory_space<vmem_shared>>) offsets(%arg6 : memref<24576xi32, #tpu.memory_space<vmem>>) semaphore(%run_scoped3A : memref<!tpu.dma_semaphore, #tpu.memory_space<semaphore_mem>>) {add = true}
        %dma_wait3A = arith.constant 0 : i32
        %dma_wait3A_76 = tpu.memref_slice %arg8[%dma_wait3A] : memref<262144xf32, #tpu.memory_space<vmem_shared>> -> memref<262144xf32, #tpu.memory_space<vmem_shared>>
        tpu.wait_indirect_dma semaphore(%run_scoped3A : memref<!tpu.dma_semaphore, #tpu.memory_space<semaphore_mem>>) src(%arg5 : memref<24576xf32, #tpu.memory_space<vmem>>) dst(%dma_wait3A_76 : memref<262144xf32, #tpu.memory_space<vmem_shared>>)
        tpu.yield
      }) : () -> ()
    }
    %scan3A_60 = arith.constant 49 : i32
    %barrier3A_61 = arith.constant 0 : index
    tpu.barrier barrier_id(%barrier3A_61)
    %eq3A_62 = arith.constant 0 : i32
    %eq3A_63 = arith.cmpi eq, %select_n3A_28, %eq3A_62 : i32
    %convert_element_type3A = arith.extui %eq3A_63 : i1 to i32
    %cond3A = arith.constant 0 : i32
    %cond3A_64 = arith.cmpi ne, %convert_element_type3A, %cond3A : i32
    scf.if %cond3A_64 {
      %mul3A_65 = arith.constant 65536 : i32
      %mul3A_66 = arith.muli %select_n3A, %mul3A_65 : i32
      "tpu.region"() ({
        %run_scoped3A = tpu.sem_alloc : memref<!tpu.dma_semaphore, #tpu.memory_space<semaphore_mem>>
        %dma_start3A = arith.constant 0 : i32
        %dma_start3A_67 = tpu.memref_slice %arg3[%add3A_30, %dma_start3A] : memref<8x65536xf32, #tpu.memory_space<hbm>> -> memref<1x65536xf32, #tpu.memory_space<hbm>>
        %dma_start3A_68 = tpu.memref_squeeze %dma_start3A_67 : memref<1x65536xf32, #tpu.memory_space<hbm>> -> memref<65536xf32, #tpu.memory_space<hbm>>
        %dma_start3A_69 = tpu.memref_slice %arg8[%mul3A_66] : memref<262144xf32, #tpu.memory_space<vmem_shared>> -> memref<65536xf32, #tpu.memory_space<vmem_shared>>
        tpu.enqueue_dma source(%dma_start3A_69 : memref<65536xf32, #tpu.memory_space<vmem_shared>>) target(%dma_start3A_68 : memref<65536xf32, #tpu.memory_space<hbm>>) target_semaphore(%run_scoped3A : memref<!tpu.dma_semaphore, #tpu.memory_space<semaphore_mem>>)
        %dma_wait3A = arith.constant 0 : i32
        %dma_wait3A_70 = tpu.memref_slice %arg3[%add3A_30, %dma_wait3A] : memref<8x65536xf32, #tpu.memory_space<hbm>> -> memref<1x65536xf32, #tpu.memory_space<hbm>>
        %dma_wait3A_71 = tpu.memref_squeeze %dma_wait3A_70 : memref<1x65536xf32, #tpu.memory_space<hbm>> -> memref<65536xf32, #tpu.memory_space<hbm>>
        %dma_wait3A_72 = tpu.memref_slice %arg8[%mul3A_66] : memref<262144xf32, #tpu.memory_space<vmem_shared>> -> memref<65536xf32, #tpu.memory_space<vmem_shared>>
        tpu.wait_dma2 semaphore(%run_scoped3A : memref<!tpu.dma_semaphore, #tpu.memory_space<semaphore_mem>>) src(%dma_wait3A_72 : memref<65536xf32, #tpu.memory_space<vmem_shared>>) dst(%dma_wait3A_71 : memref<65536xf32, #tpu.memory_space<hbm>>)
        tpu.yield
      }) : () -> ()
    } else {
    }
    return
  }
}

#map = affine_map<(d0, d1) -> (0)>
#map1 = affine_map<(d0, d1) -> (0, 0)>
module attributes {stable_mosaic.version = 14 : i64} {
  func.func @hist2(%arg0: i32, %arg1: i32, %arg2: memref<38535168xi32, #tpu.memory_space<hbm>>, %arg3: memref<8x16xi32, #tpu.memory_space<hbm>>, %arg4: memref<8x65536xf32, #tpu.memory_space<hbm>>, %arg5: memref<24576xi32, #tpu.memory_space<vmem>>, %arg6: memref<24576xf32, #tpu.memory_space<vmem>>, %arg7: memref<24576xi32, #tpu.memory_space<vmem>>, %arg8: memref<16xi32, #tpu.memory_space<vmem>>, %arg9: memref<262144xf32, #tpu.memory_space<vmem_shared>>) attributes {dimension_semantics = [#tpu.dimension_semantics<core_parallel>, #tpu.dimension_semantics<subcore_parallel>], iteration_bounds = array<i64: 2, 16>, scalar_prefetch = 0 : i64, scratch_operands = 5 : i64, tpu.core_type = #tpu.core_type<sc_vector_subcore>, window_params = [{transform_indices = #map}, {transform_indices = #map1}, {transform_indices = #map1}]} {
    %jit3A = arith.constant 4 : i32
    %div3A = arith.divsi %arg1, %jit3A : i32
    %sign3A = arith.constant 0 : i32
    %sign3A_0 = arith.cmpi sgt, %arg1, %sign3A : i32
    %sign3A_1 = arith.extui %sign3A_0 : i1 to i32
    %sign3A_2 = arith.constant 0 : i32
    %sign3A_3 = arith.cmpi slt, %arg1, %sign3A_2 : i32
    %sign3A_4 = arith.extui %sign3A_3 : i1 to i32
    %sign3A_5 = arith.subi %sign3A_1, %sign3A_4 : i32
    %sign3A_6 = arith.constant 0 : i32
    %sign3A_7 = arith.cmpi sgt, %jit3A, %sign3A_6 : i32
    %sign3A_8 = arith.extui %sign3A_7 : i1 to i32
    %sign3A_9 = arith.constant 0 : i32
    %sign3A_10 = arith.cmpi slt, %jit3A, %sign3A_9 : i32
    %sign3A_11 = arith.extui %sign3A_10 : i1 to i32
    %sign3A_12 = arith.subi %sign3A_8, %sign3A_11 : i32
    %ne3A = arith.cmpi ne, %sign3A_5, %sign3A_12 : i32
    %rem3A = arith.remsi %arg1, %jit3A : i32
    %ne3A_13 = arith.constant 0 : i32
    %ne3A_14 = arith.cmpi ne, %rem3A, %ne3A_13 : i32
    %and3A = arith.andi %ne3A, %ne3A_14 : i1
    %sub3A = arith.constant 1 : i32
    %sub3A_15 = arith.subi %div3A, %sub3A : i32
    %select_n3A = arith.select %and3A, %sub3A_15, %div3A : i32
    %jit3A_16 = arith.constant 4 : i32
    %eq3A = arith.constant 0 : i32
    %eq3A_17 = arith.cmpi eq, %jit3A_16, %eq3A : i32
    %jit3A_18 = arith.constant 1 : i32
    %select_n3A_19 = arith.select %eq3A_17, %jit3A_18, %jit3A_16 : i32
    %rem3A_20 = arith.remsi %arg1, %select_n3A_19 : i32
    %ne3A_21 = arith.constant 0 : i32
    %ne3A_22 = arith.cmpi ne, %rem3A_20, %ne3A_21 : i32
    %lt3A = arith.constant 0 : i32
    %lt3A_23 = arith.cmpi slt, %rem3A_20, %lt3A : i32
    %lt3A_24 = arith.constant 0 : i32
    %lt3A_25 = arith.cmpi slt, %select_n3A_19, %lt3A_24 : i32
    %ne3A_26 = arith.xori %lt3A_23, %lt3A_25 : i1
    %and3A_27 = arith.andi %ne3A_26, %ne3A_22 : i1
    %add3A = arith.addi %rem3A_20, %select_n3A_19 : i32
    %select_n3A_28 = arith.select %and3A_27, %add3A, %rem3A_20 : i32
    %mul3A = arith.constant 4 : i32
    %mul3A_29 = arith.muli %arg0, %mul3A : i32
    %add3A_30 = arith.addi %mul3A_29, %select_n3A : i32
    %mul3A_31 = arith.constant 4816896 : i32
    %mul3A_32 = arith.muli %add3A_30, %mul3A_31 : i32
    %mul3A_33 = arith.constant 1204224 : i32
    %mul3A_34 = arith.muli %select_n3A_28, %mul3A_33 : i32
    %add3A_35 = arith.addi %mul3A_32, %mul3A_34 : i32
    %mul3A_36 = arith.constant 65536 : i32
    %mul3A_37 = arith.muli %select_n3A, %mul3A_36 : i32
    %broadcast_in_dim3A = vector.broadcast %mul3A_37 : i32 to vector<16xi32>
    %broadcast_in_dim3A_38 = arith.constant 0.000000e+00 : f32
    %broadcast_in_dim3A_39 = vector.broadcast %broadcast_in_dim3A_38 : f32 to vector<16xf32>
    %broadcast_in_dim3A_40 = arith.constant 1.000000e+00 : f32
    %broadcast_in_dim3A_41 = vector.broadcast %broadcast_in_dim3A_40 : f32 to vector<16xf32>
    %scan3A = arith.constant 0 : i32
    %scan3A_42 = arith.constant 0 : i32
    %scan3A_43 = arith.constant 1536 : i32
    %scan3A_44 = arith.addi %scan3A_42, %scan3A_43 : i32
    %scan3A_45 = arith.constant 1 : i32
    scf.for %scan3A_61 = %scan3A_42 to %scan3A_44 step %scan3A_45  : i32 {
      %mul3A_62 = arith.constant 16 : i32
      %mul3A_63 = arith.muli %scan3A_61, %mul3A_62 : i32
      %swap3A = arith.index_cast %mul3A_63 : i32 to index
      %swap3A_64 = tpu.vector_load %arg6[%swap3A] {strides = array<i32>} : memref<24576xf32, #tpu.memory_space<vmem>>, vector<16xf32>,
      %swap3A_65 = vector.shape_cast %swap3A_64 : vector<16xf32> to vector<16xf32>
      %swap3A_66 = vector.shape_cast %broadcast_in_dim3A_39 : vector<16xf32> to vector<16xf32>
      tpu.vector_store %arg6[%swap3A], %swap3A_66 {strides = array<i32>} : memref<24576xf32, #tpu.memory_space<vmem>>, vector<16xf32>,
    }
    %scan3A_46 = arith.constant 1536 : i32
    %mul3A_47 = arith.constant 16384 : i32
    %mul3A_48 = arith.muli %arg1, %mul3A_47 : i32
    "tpu.region"() ({
      %run_scoped3A = tpu.sem_alloc : memref<!tpu.dma_semaphore, #tpu.memory_space<semaphore_mem>>
      %dma_start3A = arith.constant 0 : i32
      %dma_start3A_61 = tpu.memref_slice %arg6[%dma_start3A] : memref<24576xf32, #tpu.memory_space<vmem>> -> memref<16384xf32, #tpu.memory_space<vmem>>
      %dma_start3A_62 = tpu.memref_slice %arg9[%mul3A_48] : memref<262144xf32, #tpu.memory_space<vmem_shared>> -> memref<16384xf32, #tpu.memory_space<vmem_shared>>
      %dma_start3A_63 = tpu.memref_slice %arg9[%mul3A_48] : memref<262144xf32, #tpu.memory_space<vmem_shared>> -> memref<16384xf32, #tpu.memory_space<vmem_shared>>
      %dma_start3A_64 = arith.constant 0 : i32
      %dma_start3A_65 = tpu.memref_slice %arg6[%dma_start3A_64] : memref<24576xf32, #tpu.memory_space<vmem>> -> memref<16384xf32, #tpu.memory_space<vmem>>
      tpu.enqueue_dma source(%dma_start3A_65 : memref<16384xf32, #tpu.memory_space<vmem>>) target(%dma_start3A_63 : memref<16384xf32, #tpu.memory_space<vmem_shared>>) target_semaphore(%run_scoped3A : memref<!tpu.dma_semaphore, #tpu.memory_space<semaphore_mem>>)
      %dma_wait3A = arith.constant 0 : i32
      %dma_wait3A_66 = tpu.memref_slice %arg6[%dma_wait3A] : memref<24576xf32, #tpu.memory_space<vmem>> -> memref<16384xf32, #tpu.memory_space<vmem>>
      %dma_wait3A_67 = tpu.memref_slice %arg9[%mul3A_48] : memref<262144xf32, #tpu.memory_space<vmem_shared>> -> memref<16384xf32, #tpu.memory_space<vmem_shared>>
      %dma_wait3A_68 = tpu.memref_slice %arg9[%mul3A_48] : memref<262144xf32, #tpu.memory_space<vmem_shared>> -> memref<16384xf32, #tpu.memory_space<vmem_shared>>
      %dma_wait3A_69 = arith.constant 0 : i32
      %dma_wait3A_70 = tpu.memref_slice %arg6[%dma_wait3A_69] : memref<24576xf32, #tpu.memory_space<vmem>> -> memref<16384xf32, #tpu.memory_space<vmem>>
      tpu.wait_dma2 semaphore(%run_scoped3A : memref<!tpu.dma_semaphore, #tpu.memory_space<semaphore_mem>>) src(%dma_wait3A_70 : memref<16384xf32, #tpu.memory_space<vmem>>) dst(%dma_wait3A_68 : memref<16384xf32, #tpu.memory_space<vmem_shared>>)
      tpu.yield
    }) : () -> ()
    %barrier3A = arith.constant 0 : index
    tpu.barrier barrier_id(%barrier3A)
    "tpu.region"() ({
      %run_scoped3A = tpu.sem_alloc : memref<!tpu.dma_semaphore, #tpu.memory_space<semaphore_mem>>
      %dma_start3A = arith.constant 0 : i32
      %dma_start3A_61 = tpu.memref_slice %arg3[%add3A_30, %dma_start3A] : memref<8x16xi32, #tpu.memory_space<hbm>> -> memref<1x16xi32, #tpu.memory_space<hbm>>
      %dma_start3A_62 = tpu.memref_squeeze %dma_start3A_61 : memref<1x16xi32, #tpu.memory_space<hbm>> -> memref<16xi32, #tpu.memory_space<hbm>>
      %dma_start3A_63 = arith.constant 0 : i32
      %dma_start3A_64 = tpu.memref_slice %arg3[%add3A_30, %dma_start3A_63] : memref<8x16xi32, #tpu.memory_space<hbm>> -> memref<1x16xi32, #tpu.memory_space<hbm>>
      %dma_start3A_65 = tpu.memref_squeeze %dma_start3A_64 : memref<1x16xi32, #tpu.memory_space<hbm>> -> memref<16xi32, #tpu.memory_space<hbm>>
      tpu.enqueue_dma source(%dma_start3A_65 : memref<16xi32, #tpu.memory_space<hbm>>) target(%arg8 : memref<16xi32, #tpu.memory_space<vmem>>) target_semaphore(%run_scoped3A : memref<!tpu.dma_semaphore, #tpu.memory_space<semaphore_mem>>)
      %dma_wait3A = arith.constant 0 : i32
      %dma_wait3A_66 = tpu.memref_slice %arg3[%add3A_30, %dma_wait3A] : memref<8x16xi32, #tpu.memory_space<hbm>> -> memref<1x16xi32, #tpu.memory_space<hbm>>
      %dma_wait3A_67 = tpu.memref_squeeze %dma_wait3A_66 : memref<1x16xi32, #tpu.memory_space<hbm>> -> memref<16xi32, #tpu.memory_space<hbm>>
      %dma_wait3A_68 = arith.constant 0 : i32
      %dma_wait3A_69 = tpu.memref_slice %arg3[%add3A_30, %dma_wait3A_68] : memref<8x16xi32, #tpu.memory_space<hbm>> -> memref<1x16xi32, #tpu.memory_space<hbm>>
      %dma_wait3A_70 = tpu.memref_squeeze %dma_wait3A_69 : memref<1x16xi32, #tpu.memory_space<hbm>> -> memref<16xi32, #tpu.memory_space<hbm>>
      tpu.wait_dma2 semaphore(%run_scoped3A : memref<!tpu.dma_semaphore, #tpu.memory_space<semaphore_mem>>) src(%dma_wait3A_70 : memref<16xi32, #tpu.memory_space<hbm>>) dst(%arg8 : memref<16xi32, #tpu.memory_space<vmem>>)
      tpu.yield
    }) : () -> ()
    %get3A = arith.constant 0 : index
    %get3A_49 = tpu.vector_load %arg8[%get3A] {strides = array<i32>} : memref<16xi32, #tpu.memory_space<vmem>>, vector<16xi32>,
    %get3A_50 = vector.shape_cast %get3A_49 : vector<16xi32> to vector<16xi32>
    %scan3A_51 = arith.constant 0 : i32
    %scan3A_52 = arith.constant 0 : i32
    %scan3A_53 = arith.constant 49 : i32
    %scan3A_54 = arith.addi %scan3A_52, %scan3A_53 : i32
    %scan3A_55 = arith.constant 1 : i32
    scf.for %scan3A_61 = %scan3A_52 to %scan3A_54 step %scan3A_55  : i32 {
      %mul3A_62 = arith.constant 24576 : i32
      %mul3A_63 = arith.muli %scan3A_61, %mul3A_62 : i32
      %add3A_64 = arith.addi %add3A_35, %mul3A_63 : i32
      "tpu.region"() ({
        %run_scoped3A = tpu.sem_alloc : memref<!tpu.dma_semaphore, #tpu.memory_space<semaphore_mem>>
        %dma_start3A = tpu.memref_slice %arg2[%add3A_64] : memref<38535168xi32, #tpu.memory_space<hbm>> -> memref<24576xi32, #tpu.memory_space<hbm>>
        %dma_start3A_71 = tpu.memref_slice %arg2[%add3A_64] : memref<38535168xi32, #tpu.memory_space<hbm>> -> memref<24576xi32, #tpu.memory_space<hbm>>
        tpu.enqueue_dma source(%dma_start3A_71 : memref<24576xi32, #tpu.memory_space<hbm>>) target(%arg5 : memref<24576xi32, #tpu.memory_space<vmem>>) target_semaphore(%run_scoped3A : memref<!tpu.dma_semaphore, #tpu.memory_space<semaphore_mem>>)
        %dma_wait3A = tpu.memref_slice %arg2[%add3A_64] : memref<38535168xi32, #tpu.memory_space<hbm>> -> memref<24576xi32, #tpu.memory_space<hbm>>
        %dma_wait3A_72 = tpu.memref_slice %arg2[%add3A_64] : memref<38535168xi32, #tpu.memory_space<hbm>> -> memref<24576xi32, #tpu.memory_space<hbm>>
        tpu.wait_dma2 semaphore(%run_scoped3A : memref<!tpu.dma_semaphore, #tpu.memory_space<semaphore_mem>>) src(%dma_wait3A_72 : memref<24576xi32, #tpu.memory_space<hbm>>) dst(%arg5 : memref<24576xi32, #tpu.memory_space<vmem>>)
        tpu.yield
      }) : () -> ()
      %scan3A_65 = arith.constant 0 : i32
      %scan3A_66 = arith.constant 0 : i32
      %scan3A_67 = arith.constant 1536 : i32
      %scan3A_68 = arith.addi %scan3A_66, %scan3A_67 : i32
      %scan3A_69 = arith.constant 1 : i32
      scf.for %scan3A_71 = %scan3A_66 to %scan3A_68 step %scan3A_69  : i32 {
        %mul3A_72 = arith.constant 16 : i32
        %mul3A_73 = arith.muli %scan3A_71, %mul3A_72 : i32
        %get3A_74 = arith.index_cast %mul3A_73 : i32 to index
        %get3A_75 = tpu.vector_load %arg5[%get3A_74] {strides = array<i32>} : memref<24576xi32, #tpu.memory_space<vmem>>, vector<16xi32>,
        %get3A_76 = vector.shape_cast %get3A_75 : vector<16xi32> to vector<16xi32>
        %shift_right_logical3A = arith.constant 16 : i32
        %shift_right_logical3A_77 = vector.broadcast %shift_right_logical3A : i32 to vector<16xi32>
        %shift_right_logical3A_78 = arith.shrui %get3A_76, %shift_right_logical3A_77 : vector<16xi32>
        %lt3A_79 = arith.constant 32768 : i32
        %lt3A_80 = vector.broadcast %lt3A_79 : i32 to vector<16xi32>
        %lt3A_81 = arith.cmpi slt, %shift_right_logical3A_78, %lt3A_80 : vector<16xi32>
        %jit3A_82 = arith.constant 32768 : i32
        %jit3A_83 = arith.constant 65535 : i32
        %broadcast_in_dim3A_84 = vector.broadcast %jit3A_82 : i32 to vector<16xi32>
        %broadcast_in_dim3A_85 = vector.broadcast %jit3A_83 : i32 to vector<16xi32>
        %select_n3A_86 = arith.select %lt3A_81, %broadcast_in_dim3A_84, %broadcast_in_dim3A_85 : vector<16xi1>, vector<16xi32>
        %xor3A = arith.xori %shift_right_logical3A_78, %select_n3A_86 : vector<16xi32>
        %and3A_87 = arith.constant 65535 : i32
        %and3A_88 = vector.broadcast %and3A_87 : i32 to vector<16xi32>
        %and3A_89 = arith.andi %get3A_76, %and3A_88 : vector<16xi32>
        %lt3A_90 = arith.constant 32768 : i32
        %lt3A_91 = vector.broadcast %lt3A_90 : i32 to vector<16xi32>
        %lt3A_92 = arith.cmpi slt, %shift_right_logical3A_78, %lt3A_91 : vector<16xi32>
        %jit3A_93 = arith.constant 0 : i32
        %jit3A_94 = arith.constant 65535 : i32
        %broadcast_in_dim3A_95 = vector.broadcast %jit3A_93 : i32 to vector<16xi32>
        %broadcast_in_dim3A_96 = vector.broadcast %jit3A_94 : i32 to vector<16xi32>
        %select_n3A_97 = arith.select %lt3A_92, %broadcast_in_dim3A_95, %broadcast_in_dim3A_96 : vector<16xi1>, vector<16xi32>
        %xor3A_98 = arith.xori %and3A_89, %select_n3A_97 : vector<16xi32>
        %add3A_99 = arith.addi %xor3A_98, %broadcast_in_dim3A : vector<16xi32>
        %swap3A = arith.index_cast %mul3A_73 : i32 to index
        %swap3A_100 = tpu.vector_load %arg7[%swap3A] {strides = array<i32>} : memref<24576xi32, #tpu.memory_space<vmem>>, vector<16xi32>,
        %swap3A_101 = vector.shape_cast %swap3A_100 : vector<16xi32> to vector<16xi32>
        %swap3A_102 = vector.shape_cast %add3A_99 : vector<16xi32> to vector<16xi32>
        tpu.vector_store %arg7[%swap3A], %swap3A_102 {strides = array<i32>} : memref<24576xi32, #tpu.memory_space<vmem>>, vector<16xi32>,
        %eq3A_103 = arith.cmpi eq, %xor3A, %get3A_50 : vector<16xi32>
        %jit3A_104 = arith.constant 1.000000e+00 : f32
        %jit3A_105 = arith.constant 0.000000e+00 : f32
        %broadcast_in_dim3A_106 = vector.broadcast %jit3A_104 : f32 to vector<16xf32>
        %broadcast_in_dim3A_107 = vector.broadcast %jit3A_105 : f32 to vector<16xf32>
        %select_n3A_108 = arith.select %eq3A_103, %broadcast_in_dim3A_106, %broadcast_in_dim3A_107 : vector<16xi1>, vector<16xf32>
        %swap3A_109 = arith.index_cast %mul3A_73 : i32 to index
        %swap3A_110 = tpu.vector_load %arg6[%swap3A_109] {strides = array<i32>} : memref<24576xf32, #tpu.memory_space<vmem>>, vector<16xf32>,
        %swap3A_111 = vector.shape_cast %swap3A_110 : vector<16xf32> to vector<16xf32>
        %swap3A_112 = vector.shape_cast %select_n3A_108 : vector<16xf32> to vector<16xf32>
        tpu.vector_store %arg6[%swap3A_109], %swap3A_112 {strides = array<i32>} : memref<24576xf32, #tpu.memory_space<vmem>>, vector<16xf32>,
      }
      %scan3A_70 = arith.constant 1536 : i32
      "tpu.region"() ({
        %run_scoped3A = tpu.sem_alloc : memref<!tpu.dma_semaphore, #tpu.memory_space<semaphore_mem>>
        %dma_start3A = arith.constant 0 : i32
        %dma_start3A_71 = tpu.memref_slice %arg9[%dma_start3A] : memref<262144xf32, #tpu.memory_space<vmem_shared>> -> memref<262144xf32, #tpu.memory_space<vmem_shared>>
        tpu.enqueue_indirect_dma source(%arg6 : memref<24576xf32, #tpu.memory_space<vmem>>) target(%dma_start3A_71 : memref<262144xf32, #tpu.memory_space<vmem_shared>>) offsets(%arg7 : memref<24576xi32, #tpu.memory_space<vmem>>) semaphore(%run_scoped3A : memref<!tpu.dma_semaphore, #tpu.memory_space<semaphore_mem>>) {add = true}
        %dma_wait3A = arith.constant 0 : i32
        %dma_wait3A_72 = tpu.memref_slice %arg9[%dma_wait3A] : memref<262144xf32, #tpu.memory_space<vmem_shared>> -> memref<262144xf32, #tpu.memory_space<vmem_shared>>
        tpu.wait_indirect_dma semaphore(%run_scoped3A : memref<!tpu.dma_semaphore, #tpu.memory_space<semaphore_mem>>) src(%arg6 : memref<24576xf32, #tpu.memory_space<vmem>>) dst(%dma_wait3A_72 : memref<262144xf32, #tpu.memory_space<vmem_shared>>)
        tpu.yield
      }) : () -> ()
    }
    %scan3A_56 = arith.constant 49 : i32
    %barrier3A_57 = arith.constant 0 : index
    tpu.barrier barrier_id(%barrier3A_57)
    %eq3A_58 = arith.constant 0 : i32
    %eq3A_59 = arith.cmpi eq, %select_n3A_28, %eq3A_58 : i32
    %convert_element_type3A = arith.extui %eq3A_59 : i1 to i32
    %cond3A = arith.constant 0 : i32
    %cond3A_60 = arith.cmpi ne, %convert_element_type3A, %cond3A : i32
    scf.if %cond3A_60 {
      %mul3A_61 = arith.constant 65536 : i32
      %mul3A_62 = arith.muli %select_n3A, %mul3A_61 : i32
      "tpu.region"() ({
        %run_scoped3A = tpu.sem_alloc : memref<!tpu.dma_semaphore, #tpu.memory_space<semaphore_mem>>
        %dma_start3A = arith.constant 0 : i32
        %dma_start3A_63 = tpu.memref_slice %arg4[%add3A_30, %dma_start3A] : memref<8x65536xf32, #tpu.memory_space<hbm>> -> memref<1x65536xf32, #tpu.memory_space<hbm>>
        %dma_start3A_64 = tpu.memref_squeeze %dma_start3A_63 : memref<1x65536xf32, #tpu.memory_space<hbm>> -> memref<65536xf32, #tpu.memory_space<hbm>>
        %dma_start3A_65 = tpu.memref_slice %arg9[%mul3A_62] : memref<262144xf32, #tpu.memory_space<vmem_shared>> -> memref<65536xf32, #tpu.memory_space<vmem_shared>>
        tpu.enqueue_dma source(%dma_start3A_65 : memref<65536xf32, #tpu.memory_space<vmem_shared>>) target(%dma_start3A_64 : memref<65536xf32, #tpu.memory_space<hbm>>) target_semaphore(%run_scoped3A : memref<!tpu.dma_semaphore, #tpu.memory_space<semaphore_mem>>)
        %dma_wait3A = arith.constant 0 : i32
        %dma_wait3A_66 = tpu.memref_slice %arg4[%add3A_30, %dma_wait3A] : memref<8x65536xf32, #tpu.memory_space<hbm>> -> memref<1x65536xf32, #tpu.memory_space<hbm>>
        %dma_wait3A_67 = tpu.memref_squeeze %dma_wait3A_66 : memref<1x65536xf32, #tpu.memory_space<hbm>> -> memref<65536xf32, #tpu.memory_space<hbm>>
        %dma_wait3A_68 = tpu.memref_slice %arg9[%mul3A_62] : memref<262144xf32, #tpu.memory_space<vmem_shared>> -> memref<65536xf32, #tpu.memory_space<vmem_shared>>
        tpu.wait_dma2 semaphore(%run_scoped3A : memref<!tpu.dma_semaphore, #tpu.memory_space<semaphore_mem>>) src(%dma_wait3A_68 : memref<65536xf32, #tpu.memory_space<vmem_shared>>) dst(%dma_wait3A_67 : memref<65536xf32, #tpu.memory_space<hbm>>)
        tpu.yield
      }) : () -> ()
    } else {
    }
    return
  }
}

module attributes {stable_mosaic.version = 14 : i64} {
  func.func @_lambda_(%arg0: memref<8x512x128xf32, #tpu.memory_space<vmem>>, %arg1: memref<8x128xf32, #tpu.memory_space<vmem>>, %arg2: memref<8x128xi32, #tpu.memory_space<vmem>>, %arg3: memref<8x128xf32, #tpu.memory_space<vmem>>) attributes {dimension_semantics = [], scalar_prefetch = 0 : i64, scratch_operands = 0 : i64, tpu.core_type = #tpu.core_type<tc>} {
    %get3A = arith.constant 0 : index
    %get3A_0 = arith.constant 0 : index
    %get3A_1 = arith.constant 0 : index
    %get3A_2 = vector.load %arg0[%get3A, %get3A_0, %get3A_1] : memref<8x512x128xf32, #tpu.memory_space<vmem>>, vector<8x512x128xf32>
    %get3A_3 = arith.constant 0 : index
    %get3A_4 = arith.constant 0 : index
    %get3A_5 = vector.load %arg1[%get3A_3, %get3A_4] : memref<8x128xf32, #tpu.memory_space<vmem>>, vector<8x128xf32>
    %slice3A = vector.extract_strided_slice %get3A_5 {offsets = [0, 0], sizes = [8, 1], strides = [1, 1]} : vector<8x128xf32> to vector<8x1xf32>
    %iota3A = tpu.iota {dimensions = array<i32: 1>} : vector<8x512x128xi32>
    %iota3A_6 = tpu.iota {dimensions = array<i32: 2>} : vector<8x512x128xi32>
    %mul3A = arith.constant 128 : i32
    %mul3A_7 = vector.broadcast %mul3A : i32 to vector<8x512x128xi32>
    %mul3A_8 = arith.muli %iota3A, %mul3A_7 : vector<8x512x128xi32>
    %add3A = arith.addi %mul3A_8, %iota3A_6 : vector<8x512x128xi32>
    %broadcast_in_dim3A = arith.constant -1 : i32
    %broadcast_in_dim3A_9 = vector.broadcast %broadcast_in_dim3A : i32 to vector<8x1xi32>
    %broadcast_in_dim3A_10 = arith.constant 65535 : i32
    %broadcast_in_dim3A_11 = vector.broadcast %broadcast_in_dim3A_10 : i32 to vector<8x1xi32>
    %add3A_12 = arith.addi %broadcast_in_dim3A_9, %broadcast_in_dim3A_11 : vector<8x1xi32>
    %jit3A = arith.constant 2 : i32
    %div3A = vector.broadcast %jit3A : i32 to vector<8x1xi32>
    %div3A_13 = arith.divsi %add3A_12, %div3A : vector<8x1xi32>
    %sign3A = arith.constant 0 : i32
    %sign3A_14 = vector.broadcast %sign3A : i32 to vector<8x1xi32>
    %sign3A_15 = arith.cmpi sgt, %add3A_12, %sign3A_14 : vector<8x1xi32>
    %sign3A_16 = arith.extui %sign3A_15 : vector<8x1xi1> to vector<8x1xi32>
    %sign3A_17 = arith.constant 0 : i32
    %sign3A_18 = vector.broadcast %sign3A_17 : i32 to vector<8x1xi32>
    %sign3A_19 = arith.cmpi slt, %add3A_12, %sign3A_18 : vector<8x1xi32>
    %sign3A_20 = arith.extui %sign3A_19 : vector<8x1xi1> to vector<8x1xi32>
    %sign3A_21 = arith.subi %sign3A_16, %sign3A_20 : vector<8x1xi32>
    %sign3A_22 = arith.constant 0 : i32
    %sign3A_23 = arith.cmpi sgt, %jit3A, %sign3A_22 : i32
    %sign3A_24 = arith.extui %sign3A_23 : i1 to i32
    %sign3A_25 = arith.constant 0 : i32
    %sign3A_26 = arith.cmpi slt, %jit3A, %sign3A_25 : i32
    %sign3A_27 = arith.extui %sign3A_26 : i1 to i32
    %sign3A_28 = arith.subi %sign3A_24, %sign3A_27 : i32
    %ne3A = vector.broadcast %sign3A_28 : i32 to vector<8x1xi32>
    %ne3A_29 = arith.cmpi ne, %sign3A_21, %ne3A : vector<8x1xi32>
    %rem3A = vector.broadcast %jit3A : i32 to vector<8x1xi32>
    %rem3A_30 = arith.remsi %add3A_12, %rem3A : vector<8x1xi32>
    %ne3A_31 = arith.constant 0 : i32
    %ne3A_32 = vector.broadcast %ne3A_31 : i32 to vector<8x1xi32>
    %ne3A_33 = arith.cmpi ne, %rem3A_30, %ne3A_32 : vector<8x1xi32>
    %and3A = arith.andi %ne3A_29, %ne3A_33 : vector<8x1xi1>
    %sub3A = arith.constant 1 : i32
    %sub3A_34 = vector.broadcast %sub3A : i32 to vector<8x1xi32>
    %sub3A_35 = arith.subi %div3A_13, %sub3A_34 : vector<8x1xi32>
    %select_n3A = arith.select %and3A, %sub3A_35, %div3A_13 : vector<8x1xi1>, vector<8x1xi32>
    %broadcast_in_dim3A_36 = vector.shape_cast %select_n3A : vector<8x1xi32> to vector<8x1x1xi32>
    %le3A = vector.broadcast %broadcast_in_dim3A_36 : vector<8x1x1xi32> to vector<8x512x128xi32>
    %le3A_37 = arith.cmpi sle, %add3A, %le3A : vector<8x512x128xi32>
    %jit3A_38 = arith.constant 0.000000e+00 : f32
    %broadcast_in_dim3A_39 = vector.broadcast %jit3A_38 : f32 to vector<8x512x128xf32>
    %select_n3A_40 = arith.select %le3A_37, %get3A_2, %broadcast_in_dim3A_39 : vector<8x512x128xi1>, vector<8x512x128xf32>
    %reduce_sum3A = arith.constant dense<0.000000e+00> : vector<8xf32>
    %reduce_sum3A_41 = vector.multi_reduction <add>, %select_n3A_40, %reduce_sum3A [1, 2] : vector<8x512x128xf32> to vector<8xf32>
    %reshape3A = vector.shape_cast %reduce_sum3A_41 : vector<8xf32> to vector<8x1xf32>
    %ge3A = arith.cmpf oge, %reshape3A, %slice3A : vector<8x1xf32>
    %select_n3A_42 = arith.select %ge3A, %select_n3A, %broadcast_in_dim3A_11 : vector<8x1xi1>, vector<8x1xi32>
    %select_n3A_43 = arith.select %ge3A, %broadcast_in_dim3A_9, %select_n3A : vector<8x1xi1>, vector<8x1xi32>
    %add3A_44 = arith.addi %select_n3A_43, %select_n3A_42 : vector<8x1xi32>
    %jit3A_45 = arith.constant 2 : i32
    %div3A_46 = vector.broadcast %jit3A_45 : i32 to vector<8x1xi32>
    %div3A_47 = arith.divsi %add3A_44, %div3A_46 : vector<8x1xi32>
    %sign3A_48 = arith.constant 0 : i32
    %sign3A_49 = vector.broadcast %sign3A_48 : i32 to vector<8x1xi32>
    %sign3A_50 = arith.cmpi sgt, %add3A_44, %sign3A_49 : vector<8x1xi32>
    %sign3A_51 = arith.extui %sign3A_50 : vector<8x1xi1> to vector<8x1xi32>
    %sign3A_52 = arith.constant 0 : i32
    %sign3A_53 = vector.broadcast %sign3A_52 : i32 to vector<8x1xi32>
    %sign3A_54 = arith.cmpi slt, %add3A_44, %sign3A_53 : vector<8x1xi32>
    %sign3A_55 = arith.extui %sign3A_54 : vector<8x1xi1> to vector<8x1xi32>
    %sign3A_56 = arith.subi %sign3A_51, %sign3A_55 : vector<8x1xi32>
    %sign3A_57 = arith.constant 0 : i32
    %sign3A_58 = arith.cmpi sgt, %jit3A_45, %sign3A_57 : i32
    %sign3A_59 = arith.extui %sign3A_58 : i1 to i32
    %sign3A_60 = arith.constant 0 : i32
    %sign3A_61 = arith.cmpi slt, %jit3A_45, %sign3A_60 : i32
    %sign3A_62 = arith.extui %sign3A_61 : i1 to i32
    %sign3A_63 = arith.subi %sign3A_59, %sign3A_62 : i32
    %ne3A_64 = vector.broadcast %sign3A_63 : i32 to vector<8x1xi32>
    %ne3A_65 = arith.cmpi ne, %sign3A_56, %ne3A_64 : vector<8x1xi32>
    %rem3A_66 = vector.broadcast %jit3A_45 : i32 to vector<8x1xi32>
    %rem3A_67 = arith.remsi %add3A_44, %rem3A_66 : vector<8x1xi32>
    %ne3A_68 = arith.constant 0 : i32
    %ne3A_69 = vector.broadcast %ne3A_68 : i32 to vector<8x1xi32>
    %ne3A_70 = arith.cmpi ne, %rem3A_67, %ne3A_69 : vector<8x1xi32>
    %and3A_71 = arith.andi %ne3A_65, %ne3A_70 : vector<8x1xi1>
    %sub3A_72 = arith.constant 1 : i32
    %sub3A_73 = vector.broadcast %sub3A_72 : i32 to vector<8x1xi32>
    %sub3A_74 = arith.subi %div3A_47, %sub3A_73 : vector<8x1xi32>
    %select_n3A_75 = arith.select %and3A_71, %sub3A_74, %div3A_47 : vector<8x1xi1>, vector<8x1xi32>
    %broadcast_in_dim3A_76 = vector.shape_cast %select_n3A_75 : vector<8x1xi32> to vector<8x1x1xi32>
    %le3A_77 = vector.broadcast %broadcast_in_dim3A_76 : vector<8x1x1xi32> to vector<8x512x128xi32>
    %le3A_78 = arith.cmpi sle, %add3A, %le3A_77 : vector<8x512x128xi32>
    %jit3A_79 = arith.constant 0.000000e+00 : f32
    %broadcast_in_dim3A_80 = vector.broadcast %jit3A_79 : f32 to vector<8x512x128xf32>
    %select_n3A_81 = arith.select %le3A_78, %get3A_2, %broadcast_in_dim3A_80 : vector<8x512x128xi1>, vector<8x512x128xf32>
    %reduce_sum3A_82 = arith.constant dense<0.000000e+00> : vector<8xf32>
    %reduce_sum3A_83 = vector.multi_reduction <add>, %select_n3A_81, %reduce_sum3A_82 [1, 2] : vector<8x512x128xf32> to vector<8xf32>
    %reshape3A_84 = vector.shape_cast %reduce_sum3A_83 : vector<8xf32> to vector<8x1xf32>
    %ge3A_85 = arith.cmpf oge, %reshape3A_84, %slice3A : vector<8x1xf32>
    %select_n3A_86 = arith.select %ge3A_85, %select_n3A_75, %select_n3A_42 : vector<8x1xi1>, vector<8x1xi32>
    %select_n3A_87 = arith.select %ge3A_85, %select_n3A_43, %select_n3A_75 : vector<8x1xi1>, vector<8x1xi32>
    %add3A_88 = arith.addi %select_n3A_87, %select_n3A_86 : vector<8x1xi32>
    %jit3A_89 = arith.constant 2 : i32
    %div3A_90 = vector.broadcast %jit3A_89 : i32 to vector<8x1xi32>
    %div3A_91 = arith.divsi %add3A_88, %div3A_90 : vector<8x1xi32>
    %sign3A_92 = arith.constant 0 : i32
    %sign3A_93 = vector.broadcast %sign3A_92 : i32 to vector<8x1xi32>
    %sign3A_94 = arith.cmpi sgt, %add3A_88, %sign3A_93 : vector<8x1xi32>
    %sign3A_95 = arith.extui %sign3A_94 : vector<8x1xi1> to vector<8x1xi32>
    %sign3A_96 = arith.constant 0 : i32
    %sign3A_97 = vector.broadcast %sign3A_96 : i32 to vector<8x1xi32>
    %sign3A_98 = arith.cmpi slt, %add3A_88, %sign3A_97 : vector<8x1xi32>
    %sign3A_99 = arith.extui %sign3A_98 : vector<8x1xi1> to vector<8x1xi32>
    %sign3A_100 = arith.subi %sign3A_95, %sign3A_99 : vector<8x1xi32>
    %sign3A_101 = arith.constant 0 : i32
    %sign3A_102 = arith.cmpi sgt, %jit3A_89, %sign3A_101 : i32
    %sign3A_103 = arith.extui %sign3A_102 : i1 to i32
    %sign3A_104 = arith.constant 0 : i32
    %sign3A_105 = arith.cmpi slt, %jit3A_89, %sign3A_104 : i32
    %sign3A_106 = arith.extui %sign3A_105 : i1 to i32
    %sign3A_107 = arith.subi %sign3A_103, %sign3A_106 : i32
    %ne3A_108 = vector.broadcast %sign3A_107 : i32 to vector<8x1xi32>
    %ne3A_109 = arith.cmpi ne, %sign3A_100, %ne3A_108 : vector<8x1xi32>
    %rem3A_110 = vector.broadcast %jit3A_89 : i32 to vector<8x1xi32>
    %rem3A_111 = arith.remsi %add3A_88, %rem3A_110 : vector<8x1xi32>
    %ne3A_112 = arith.constant 0 : i32
    %ne3A_113 = vector.broadcast %ne3A_112 : i32 to vector<8x1xi32>
    %ne3A_114 = arith.cmpi ne, %rem3A_111, %ne3A_113 : vector<8x1xi32>
    %and3A_115 = arith.andi %ne3A_109, %ne3A_114 : vector<8x1xi1>
    %sub3A_116 = arith.constant 1 : i32
    %sub3A_117 = vector.broadcast %sub3A_116 : i32 to vector<8x1xi32>
    %sub3A_118 = arith.subi %div3A_91, %sub3A_117 : vector<8x1xi32>
    %select_n3A_119 = arith.select %and3A_115, %sub3A_118, %div3A_91 : vector<8x1xi1>, vector<8x1xi32>
    %broadcast_in_dim3A_120 = vector.shape_cast %select_n3A_119 : vector<8x1xi32> to vector<8x1x1xi32>
    %le3A_121 = vector.broadcast %broadcast_in_dim3A_120 : vector<8x1x1xi32> to vector<8x512x128xi32>
    %le3A_122 = arith.cmpi sle, %add3A, %le3A_121 : vector<8x512x128xi32>
    %jit3A_123 = arith.constant 0.000000e+00 : f32
    %broadcast_in_dim3A_124 = vector.broadcast %jit3A_123 : f32 to vector<8x512x128xf32>
    %select_n3A_125 = arith.select %le3A_122, %get3A_2, %broadcast_in_dim3A_124 : vector<8x512x128xi1>, vector<8x512x128xf32>
    %reduce_sum3A_126 = arith.constant dense<0.000000e+00> : vector<8xf32>
    %reduce_sum3A_127 = vector.multi_reduction <add>, %select_n3A_125, %reduce_sum3A_126 [1, 2] : vector<8x512x128xf32> to vector<8xf32>
    %reshape3A_128 = vector.shape_cast %reduce_sum3A_127 : vector<8xf32> to vector<8x1xf32>
    %ge3A_129 = arith.cmpf oge, %reshape3A_128, %slice3A : vector<8x1xf32>
    %select_n3A_130 = arith.select %ge3A_129, %select_n3A_119, %select_n3A_86 : vector<8x1xi1>, vector<8x1xi32>
    %select_n3A_131 = arith.select %ge3A_129, %select_n3A_87, %select_n3A_119 : vector<8x1xi1>, vector<8x1xi32>
    %add3A_132 = arith.addi %select_n3A_131, %select_n3A_130 : vector<8x1xi32>
    %jit3A_133 = arith.constant 2 : i32
    %div3A_134 = vector.broadcast %jit3A_133 : i32 to vector<8x1xi32>
    %div3A_135 = arith.divsi %add3A_132, %div3A_134 : vector<8x1xi32>
    %sign3A_136 = arith.constant 0 : i32
    %sign3A_137 = vector.broadcast %sign3A_136 : i32 to vector<8x1xi32>
    %sign3A_138 = arith.cmpi sgt, %add3A_132, %sign3A_137 : vector<8x1xi32>
    %sign3A_139 = arith.extui %sign3A_138 : vector<8x1xi1> to vector<8x1xi32>
    %sign3A_140 = arith.constant 0 : i32
    %sign3A_141 = vector.broadcast %sign3A_140 : i32 to vector<8x1xi32>
    %sign3A_142 = arith.cmpi slt, %add3A_132, %sign3A_141 : vector<8x1xi32>
    %sign3A_143 = arith.extui %sign3A_142 : vector<8x1xi1> to vector<8x1xi32>
    %sign3A_144 = arith.subi %sign3A_139, %sign3A_143 : vector<8x1xi32>
    %sign3A_145 = arith.constant 0 : i32
    %sign3A_146 = arith.cmpi sgt, %jit3A_133, %sign3A_145 : i32
    %sign3A_147 = arith.extui %sign3A_146 : i1 to i32
    %sign3A_148 = arith.constant 0 : i32
    %sign3A_149 = arith.cmpi slt, %jit3A_133, %sign3A_148 : i32
    %sign3A_150 = arith.extui %sign3A_149 : i1 to i32
    %sign3A_151 = arith.subi %sign3A_147, %sign3A_150 : i32
    %ne3A_152 = vector.broadcast %sign3A_151 : i32 to vector<8x1xi32>
    %ne3A_153 = arith.cmpi ne, %sign3A_144, %ne3A_152 : vector<8x1xi32>
    %rem3A_154 = vector.broadcast %jit3A_133 : i32 to vector<8x1xi32>
    %rem3A_155 = arith.remsi %add3A_132, %rem3A_154 : vector<8x1xi32>
    %ne3A_156 = arith.constant 0 : i32
    %ne3A_157 = vector.broadcast %ne3A_156 : i32 to vector<8x1xi32>
    %ne3A_158 = arith.cmpi ne, %rem3A_155, %ne3A_157 : vector<8x1xi32>
    %and3A_159 = arith.andi %ne3A_153, %ne3A_158 : vector<8x1xi1>
    %sub3A_160 = arith.constant 1 : i32
    %sub3A_161 = vector.broadcast %sub3A_160 : i32 to vector<8x1xi32>
    %sub3A_162 = arith.subi %div3A_135, %sub3A_161 : vector<8x1xi32>
    %select_n3A_163 = arith.select %and3A_159, %sub3A_162, %div3A_135 : vector<8x1xi1>, vector<8x1xi32>
    %broadcast_in_dim3A_164 = vector.shape_cast %select_n3A_163 : vector<8x1xi32> to vector<8x1x1xi32>
    %le3A_165 = vector.broadcast %broadcast_in_dim3A_164 : vector<8x1x1xi32> to vector<8x512x128xi32>
    %le3A_166 = arith.cmpi sle, %add3A, %le3A_165 : vector<8x512x128xi32>
    %jit3A_167 = arith.constant 0.000000e+00 : f32
    %broadcast_in_dim3A_168 = vector.broadcast %jit3A_167 : f32 to vector<8x512x128xf32>
    %select_n3A_169 = arith.select %le3A_166, %get3A_2, %broadcast_in_dim3A_168 : vector<8x512x128xi1>, vector<8x512x128xf32>
    %reduce_sum3A_170 = arith.constant dense<0.000000e+00> : vector<8xf32>
    %reduce_sum3A_171 = vector.multi_reduction <add>, %select_n3A_169, %reduce_sum3A_170 [1, 2] : vector<8x512x128xf32> to vector<8xf32>
    %reshape3A_172 = vector.shape_cast %reduce_sum3A_171 : vector<8xf32> to vector<8x1xf32>
    %ge3A_173 = arith.cmpf oge, %reshape3A_172, %slice3A : vector<8x1xf32>
    %select_n3A_174 = arith.select %ge3A_173, %select_n3A_163, %select_n3A_130 : vector<8x1xi1>, vector<8x1xi32>
    %select_n3A_175 = arith.select %ge3A_173, %select_n3A_131, %select_n3A_163 : vector<8x1xi1>, vector<8x1xi32>
    %add3A_176 = arith.addi %select_n3A_175, %select_n3A_174 : vector<8x1xi32>
    %jit3A_177 = arith.constant 2 : i32
    %div3A_178 = vector.broadcast %jit3A_177 : i32 to vector<8x1xi32>
    %div3A_179 = arith.divsi %add3A_176, %div3A_178 : vector<8x1xi32>
    %sign3A_180 = arith.constant 0 : i32
    %sign3A_181 = vector.broadcast %sign3A_180 : i32 to vector<8x1xi32>
    %sign3A_182 = arith.cmpi sgt, %add3A_176, %sign3A_181 : vector<8x1xi32>
    %sign3A_183 = arith.extui %sign3A_182 : vector<8x1xi1> to vector<8x1xi32>
    %sign3A_184 = arith.constant 0 : i32
    %sign3A_185 = vector.broadcast %sign3A_184 : i32 to vector<8x1xi32>
    %sign3A_186 = arith.cmpi slt, %add3A_176, %sign3A_185 : vector<8x1xi32>
    %sign3A_187 = arith.extui %sign3A_186 : vector<8x1xi1> to vector<8x1xi32>
    %sign3A_188 = arith.subi %sign3A_183, %sign3A_187 : vector<8x1xi32>
    %sign3A_189 = arith.constant 0 : i32
    %sign3A_190 = arith.cmpi sgt, %jit3A_177, %sign3A_189 : i32
    %sign3A_191 = arith.extui %sign3A_190 : i1 to i32
    %sign3A_192 = arith.constant 0 : i32
    %sign3A_193 = arith.cmpi slt, %jit3A_177, %sign3A_192 : i32
    %sign3A_194 = arith.extui %sign3A_193 : i1 to i32
    %sign3A_195 = arith.subi %sign3A_191, %sign3A_194 : i32
    %ne3A_196 = vector.broadcast %sign3A_195 : i32 to vector<8x1xi32>
    %ne3A_197 = arith.cmpi ne, %sign3A_188, %ne3A_196 : vector<8x1xi32>
    %rem3A_198 = vector.broadcast %jit3A_177 : i32 to vector<8x1xi32>
    %rem3A_199 = arith.remsi %add3A_176, %rem3A_198 : vector<8x1xi32>
    %ne3A_200 = arith.constant 0 : i32
    %ne3A_201 = vector.broadcast %ne3A_200 : i32 to vector<8x1xi32>
    %ne3A_202 = arith.cmpi ne, %rem3A_199, %ne3A_201 : vector<8x1xi32>
    %and3A_203 = arith.andi %ne3A_197, %ne3A_202 : vector<8x1xi1>
    %sub3A_204 = arith.constant 1 : i32
    %sub3A_205 = vector.broadcast %sub3A_204 : i32 to vector<8x1xi32>
    %sub3A_206 = arith.subi %div3A_179, %sub3A_205 : vector<8x1xi32>
    %select_n3A_207 = arith.select %and3A_203, %sub3A_206, %div3A_179 : vector<8x1xi1>, vector<8x1xi32>
    %broadcast_in_dim3A_208 = vector.shape_cast %select_n3A_207 : vector<8x1xi32> to vector<8x1x1xi32>
    %le3A_209 = vector.broadcast %broadcast_in_dim3A_208 : vector<8x1x1xi32> to vector<8x512x128xi32>
    %le3A_210 = arith.cmpi sle, %add3A, %le3A_209 : vector<8x512x128xi32>
    %jit3A_211 = arith.constant 0.000000e+00 : f32
    %broadcast_in_dim3A_212 = vector.broadcast %jit3A_211 : f32 to vector<8x512x128xf32>
    %select_n3A_213 = arith.select %le3A_210, %get3A_2, %broadcast_in_dim3A_212 : vector<8x512x128xi1>, vector<8x512x128xf32>
    %reduce_sum3A_214 = arith.constant dense<0.000000e+00> : vector<8xf32>
    %reduce_sum3A_215 = vector.multi_reduction <add>, %select_n3A_213, %reduce_sum3A_214 [1, 2] : vector<8x512x128xf32> to vector<8xf32>
    %reshape3A_216 = vector.shape_cast %reduce_sum3A_215 : vector<8xf32> to vector<8x1xf32>
    %ge3A_217 = arith.cmpf oge, %reshape3A_216, %slice3A : vector<8x1xf32>
    %select_n3A_218 = arith.select %ge3A_217, %select_n3A_207, %select_n3A_174 : vector<8x1xi1>, vector<8x1xi32>
    %select_n3A_219 = arith.select %ge3A_217, %select_n3A_175, %select_n3A_207 : vector<8x1xi1>, vector<8x1xi32>
    %add3A_220 = arith.addi %select_n3A_219, %select_n3A_218 : vector<8x1xi32>
    %jit3A_221 = arith.constant 2 : i32
    %div3A_222 = vector.broadcast %jit3A_221 : i32 to vector<8x1xi32>
    %div3A_223 = arith.divsi %add3A_220, %div3A_222 : vector<8x1xi32>
    %sign3A_224 = arith.constant 0 : i32
    %sign3A_225 = vector.broadcast %sign3A_224 : i32 to vector<8x1xi32>
    %sign3A_226 = arith.cmpi sgt, %add3A_220, %sign3A_225 : vector<8x1xi32>
    %sign3A_227 = arith.extui %sign3A_226 : vector<8x1xi1> to vector<8x1xi32>
    %sign3A_228 = arith.constant 0 : i32
    %sign3A_229 = vector.broadcast %sign3A_228 : i32 to vector<8x1xi32>
    %sign3A_230 = arith.cmpi slt, %add3A_220, %sign3A_229 : vector<8x1xi32>
    %sign3A_231 = arith.extui %sign3A_230 : vector<8x1xi1> to vector<8x1xi32>
    %sign3A_232 = arith.subi %sign3A_227, %sign3A_231 : vector<8x1xi32>
    %sign3A_233 = arith.constant 0 : i32
    %sign3A_234 = arith.cmpi sgt, %jit3A_221, %sign3A_233 : i32
    %sign3A_235 = arith.extui %sign3A_234 : i1 to i32
    %sign3A_236 = arith.constant 0 : i32
    %sign3A_237 = arith.cmpi slt, %jit3A_221, %sign3A_236 : i32
    %sign3A_238 = arith.extui %sign3A_237 : i1 to i32
    %sign3A_239 = arith.subi %sign3A_235, %sign3A_238 : i32
    %ne3A_240 = vector.broadcast %sign3A_239 : i32 to vector<8x1xi32>
    %ne3A_241 = arith.cmpi ne, %sign3A_232, %ne3A_240 : vector<8x1xi32>
    %rem3A_242 = vector.broadcast %jit3A_221 : i32 to vector<8x1xi32>
    %rem3A_243 = arith.remsi %add3A_220, %rem3A_242 : vector<8x1xi32>
    %ne3A_244 = arith.constant 0 : i32
    %ne3A_245 = vector.broadcast %ne3A_244 : i32 to vector<8x1xi32>
    %ne3A_246 = arith.cmpi ne, %rem3A_243, %ne3A_245 : vector<8x1xi32>
    %and3A_247 = arith.andi %ne3A_241, %ne3A_246 : vector<8x1xi1>
    %sub3A_248 = arith.constant 1 : i32
    %sub3A_249 = vector.broadcast %sub3A_248 : i32 to vector<8x1xi32>
    %sub3A_250 = arith.subi %div3A_223, %sub3A_249 : vector<8x1xi32>
    %select_n3A_251 = arith.select %and3A_247, %sub3A_250, %div3A_223 : vector<8x1xi1>, vector<8x1xi32>
    %broadcast_in_dim3A_252 = vector.shape_cast %select_n3A_251 : vector<8x1xi32> to vector<8x1x1xi32>
    %le3A_253 = vector.broadcast %broadcast_in_dim3A_252 : vector<8x1x1xi32> to vector<8x512x128xi32>
    %le3A_254 = arith.cmpi sle, %add3A, %le3A_253 : vector<8x512x128xi32>
    %jit3A_255 = arith.constant 0.000000e+00 : f32
    %broadcast_in_dim3A_256 = vector.broadcast %jit3A_255 : f32 to vector<8x512x128xf32>
    %select_n3A_257 = arith.select %le3A_254, %get3A_2, %broadcast_in_dim3A_256 : vector<8x512x128xi1>, vector<8x512x128xf32>
    %reduce_sum3A_258 = arith.constant dense<0.000000e+00> : vector<8xf32>
    %reduce_sum3A_259 = vector.multi_reduction <add>, %select_n3A_257, %reduce_sum3A_258 [1, 2] : vector<8x512x128xf32> to vector<8xf32>
    %reshape3A_260 = vector.shape_cast %reduce_sum3A_259 : vector<8xf32> to vector<8x1xf32>
    %ge3A_261 = arith.cmpf oge, %reshape3A_260, %slice3A : vector<8x1xf32>
    %select_n3A_262 = arith.select %ge3A_261, %select_n3A_251, %select_n3A_218 : vector<8x1xi1>, vector<8x1xi32>
    %select_n3A_263 = arith.select %ge3A_261, %select_n3A_219, %select_n3A_251 : vector<8x1xi1>, vector<8x1xi32>
    %add3A_264 = arith.addi %select_n3A_263, %select_n3A_262 : vector<8x1xi32>
    %jit3A_265 = arith.constant 2 : i32
    %div3A_266 = vector.broadcast %jit3A_265 : i32 to vector<8x1xi32>
    %div3A_267 = arith.divsi %add3A_264, %div3A_266 : vector<8x1xi32>
    %sign3A_268 = arith.constant 0 : i32
    %sign3A_269 = vector.broadcast %sign3A_268 : i32 to vector<8x1xi32>
    %sign3A_270 = arith.cmpi sgt, %add3A_264, %sign3A_269 : vector<8x1xi32>
    %sign3A_271 = arith.extui %sign3A_270 : vector<8x1xi1> to vector<8x1xi32>
    %sign3A_272 = arith.constant 0 : i32
    %sign3A_273 = vector.broadcast %sign3A_272 : i32 to vector<8x1xi32>
    %sign3A_274 = arith.cmpi slt, %add3A_264, %sign3A_273 : vector<8x1xi32>
    %sign3A_275 = arith.extui %sign3A_274 : vector<8x1xi1> to vector<8x1xi32>
    %sign3A_276 = arith.subi %sign3A_271, %sign3A_275 : vector<8x1xi32>
    %sign3A_277 = arith.constant 0 : i32
    %sign3A_278 = arith.cmpi sgt, %jit3A_265, %sign3A_277 : i32
    %sign3A_279 = arith.extui %sign3A_278 : i1 to i32
    %sign3A_280 = arith.constant 0 : i32
    %sign3A_281 = arith.cmpi slt, %jit3A_265, %sign3A_280 : i32
    %sign3A_282 = arith.extui %sign3A_281 : i1 to i32
    %sign3A_283 = arith.subi %sign3A_279, %sign3A_282 : i32
    %ne3A_284 = vector.broadcast %sign3A_283 : i32 to vector<8x1xi32>
    %ne3A_285 = arith.cmpi ne, %sign3A_276, %ne3A_284 : vector<8x1xi32>
    %rem3A_286 = vector.broadcast %jit3A_265 : i32 to vector<8x1xi32>
    %rem3A_287 = arith.remsi %add3A_264, %rem3A_286 : vector<8x1xi32>
    %ne3A_288 = arith.constant 0 : i32
    %ne3A_289 = vector.broadcast %ne3A_288 : i32 to vector<8x1xi32>
    %ne3A_290 = arith.cmpi ne, %rem3A_287, %ne3A_289 : vector<8x1xi32>
    %and3A_291 = arith.andi %ne3A_285, %ne3A_290 : vector<8x1xi1>
    %sub3A_292 = arith.constant 1 : i32
    %sub3A_293 = vector.broadcast %sub3A_292 : i32 to vector<8x1xi32>
    %sub3A_294 = arith.subi %div3A_267, %sub3A_293 : vector<8x1xi32>
    %select_n3A_295 = arith.select %and3A_291, %sub3A_294, %div3A_267 : vector<8x1xi1>, vector<8x1xi32>
    %broadcast_in_dim3A_296 = vector.shape_cast %select_n3A_295 : vector<8x1xi32> to vector<8x1x1xi32>
    %le3A_297 = vector.broadcast %broadcast_in_dim3A_296 : vector<8x1x1xi32> to vector<8x512x128xi32>
    %le3A_298 = arith.cmpi sle, %add3A, %le3A_297 : vector<8x512x128xi32>
    %jit3A_299 = arith.constant 0.000000e+00 : f32
    %broadcast_in_dim3A_300 = vector.broadcast %jit3A_299 : f32 to vector<8x512x128xf32>
    %select_n3A_301 = arith.select %le3A_298, %get3A_2, %broadcast_in_dim3A_300 : vector<8x512x128xi1>, vector<8x512x128xf32>
    %reduce_sum3A_302 = arith.constant dense<0.000000e+00> : vector<8xf32>
    %reduce_sum3A_303 = vector.multi_reduction <add>, %select_n3A_301, %reduce_sum3A_302 [1, 2] : vector<8x512x128xf32> to vector<8xf32>
    %reshape3A_304 = vector.shape_cast %reduce_sum3A_303 : vector<8xf32> to vector<8x1xf32>
    %ge3A_305 = arith.cmpf oge, %reshape3A_304, %slice3A : vector<8x1xf32>
    %select_n3A_306 = arith.select %ge3A_305, %select_n3A_295, %select_n3A_262 : vector<8x1xi1>, vector<8x1xi32>
    %select_n3A_307 = arith.select %ge3A_305, %select_n3A_263, %select_n3A_295 : vector<8x1xi1>, vector<8x1xi32>
    %add3A_308 = arith.addi %select_n3A_307, %select_n3A_306 : vector<8x1xi32>
    %jit3A_309 = arith.constant 2 : i32
    %div3A_310 = vector.broadcast %jit3A_309 : i32 to vector<8x1xi32>
    %div3A_311 = arith.divsi %add3A_308, %div3A_310 : vector<8x1xi32>
    %sign3A_312 = arith.constant 0 : i32
    %sign3A_313 = vector.broadcast %sign3A_312 : i32 to vector<8x1xi32>
    %sign3A_314 = arith.cmpi sgt, %add3A_308, %sign3A_313 : vector<8x1xi32>
    %sign3A_315 = arith.extui %sign3A_314 : vector<8x1xi1> to vector<8x1xi32>
    %sign3A_316 = arith.constant 0 : i32
    %sign3A_317 = vector.broadcast %sign3A_316 : i32 to vector<8x1xi32>
    %sign3A_318 = arith.cmpi slt, %add3A_308, %sign3A_317 : vector<8x1xi32>
    %sign3A_319 = arith.extui %sign3A_318 : vector<8x1xi1> to vector<8x1xi32>
    %sign3A_320 = arith.subi %sign3A_315, %sign3A_319 : vector<8x1xi32>
    %sign3A_321 = arith.constant 0 : i32
    %sign3A_322 = arith.cmpi sgt, %jit3A_309, %sign3A_321 : i32
    %sign3A_323 = arith.extui %sign3A_322 : i1 to i32
    %sign3A_324 = arith.constant 0 : i32
    %sign3A_325 = arith.cmpi slt, %jit3A_309, %sign3A_324 : i32
    %sign3A_326 = arith.extui %sign3A_325 : i1 to i32
    %sign3A_327 = arith.subi %sign3A_323, %sign3A_326 : i32
    %ne3A_328 = vector.broadcast %sign3A_327 : i32 to vector<8x1xi32>
    %ne3A_329 = arith.cmpi ne, %sign3A_320, %ne3A_328 : vector<8x1xi32>
    %rem3A_330 = vector.broadcast %jit3A_309 : i32 to vector<8x1xi32>
    %rem3A_331 = arith.remsi %add3A_308, %rem3A_330 : vector<8x1xi32>
    %ne3A_332 = arith.constant 0 : i32
    %ne3A_333 = vector.broadcast %ne3A_332 : i32 to vector<8x1xi32>
    %ne3A_334 = arith.cmpi ne, %rem3A_331, %ne3A_333 : vector<8x1xi32>
    %and3A_335 = arith.andi %ne3A_329, %ne3A_334 : vector<8x1xi1>
    %sub3A_336 = arith.constant 1 : i32
    %sub3A_337 = vector.broadcast %sub3A_336 : i32 to vector<8x1xi32>
    %sub3A_338 = arith.subi %div3A_311, %sub3A_337 : vector<8x1xi32>
    %select_n3A_339 = arith.select %and3A_335, %sub3A_338, %div3A_311 : vector<8x1xi1>, vector<8x1xi32>
    %broadcast_in_dim3A_340 = vector.shape_cast %select_n3A_339 : vector<8x1xi32> to vector<8x1x1xi32>
    %le3A_341 = vector.broadcast %broadcast_in_dim3A_340 : vector<8x1x1xi32> to vector<8x512x128xi32>
    %le3A_342 = arith.cmpi sle, %add3A, %le3A_341 : vector<8x512x128xi32>
    %jit3A_343 = arith.constant 0.000000e+00 : f32
    %broadcast_in_dim3A_344 = vector.broadcast %jit3A_343 : f32 to vector<8x512x128xf32>
    %select_n3A_345 = arith.select %le3A_342, %get3A_2, %broadcast_in_dim3A_344 : vector<8x512x128xi1>, vector<8x512x128xf32>
    %reduce_sum3A_346 = arith.constant dense<0.000000e+00> : vector<8xf32>
    %reduce_sum3A_347 = vector.multi_reduction <add>, %select_n3A_345, %reduce_sum3A_346 [1, 2] : vector<8x512x128xf32> to vector<8xf32>
    %reshape3A_348 = vector.shape_cast %reduce_sum3A_347 : vector<8xf32> to vector<8x1xf32>
    %ge3A_349 = arith.cmpf oge, %reshape3A_348, %slice3A : vector<8x1xf32>
    %select_n3A_350 = arith.select %ge3A_349, %select_n3A_339, %select_n3A_306 : vector<8x1xi1>, vector<8x1xi32>
    %select_n3A_351 = arith.select %ge3A_349, %select_n3A_307, %select_n3A_339 : vector<8x1xi1>, vector<8x1xi32>
    %add3A_352 = arith.addi %select_n3A_351, %select_n3A_350 : vector<8x1xi32>
    %jit3A_353 = arith.constant 2 : i32
    %div3A_354 = vector.broadcast %jit3A_353 : i32 to vector<8x1xi32>
    %div3A_355 = arith.divsi %add3A_352, %div3A_354 : vector<8x1xi32>
    %sign3A_356 = arith.constant 0 : i32
    %sign3A_357 = vector.broadcast %sign3A_356 : i32 to vector<8x1xi32>
    %sign3A_358 = arith.cmpi sgt, %add3A_352, %sign3A_357 : vector<8x1xi32>
    %sign3A_359 = arith.extui %sign3A_358 : vector<8x1xi1> to vector<8x1xi32>
    %sign3A_360 = arith.constant 0 : i32
    %sign3A_361 = vector.broadcast %sign3A_360 : i32 to vector<8x1xi32>
    %sign3A_362 = arith.cmpi slt, %add3A_352, %sign3A_361 : vector<8x1xi32>
    %sign3A_363 = arith.extui %sign3A_362 : vector<8x1xi1> to vector<8x1xi32>
    %sign3A_364 = arith.subi %sign3A_359, %sign3A_363 : vector<8x1xi32>
    %sign3A_365 = arith.constant 0 : i32
    %sign3A_366 = arith.cmpi sgt, %jit3A_353, %sign3A_365 : i32
    %sign3A_367 = arith.extui %sign3A_366 : i1 to i32
    %sign3A_368 = arith.constant 0 : i32
    %sign3A_369 = arith.cmpi slt, %jit3A_353, %sign3A_368 : i32
    %sign3A_370 = arith.extui %sign3A_369 : i1 to i32
    %sign3A_371 = arith.subi %sign3A_367, %sign3A_370 : i32
    %ne3A_372 = vector.broadcast %sign3A_371 : i32 to vector<8x1xi32>
    %ne3A_373 = arith.cmpi ne, %sign3A_364, %ne3A_372 : vector<8x1xi32>
    %rem3A_374 = vector.broadcast %jit3A_353 : i32 to vector<8x1xi32>
    %rem3A_375 = arith.remsi %add3A_352, %rem3A_374 : vector<8x1xi32>
    %ne3A_376 = arith.constant 0 : i32
    %ne3A_377 = vector.broadcast %ne3A_376 : i32 to vector<8x1xi32>
    %ne3A_378 = arith.cmpi ne, %rem3A_375, %ne3A_377 : vector<8x1xi32>
    %and3A_379 = arith.andi %ne3A_373, %ne3A_378 : vector<8x1xi1>
    %sub3A_380 = arith.constant 1 : i32
    %sub3A_381 = vector.broadcast %sub3A_380 : i32 to vector<8x1xi32>
    %sub3A_382 = arith.subi %div3A_355, %sub3A_381 : vector<8x1xi32>
    %select_n3A_383 = arith.select %and3A_379, %sub3A_382, %div3A_355 : vector<8x1xi1>, vector<8x1xi32>
    %broadcast_in_dim3A_384 = vector.shape_cast %select_n3A_383 : vector<8x1xi32> to vector<8x1x1xi32>
    %le3A_385 = vector.broadcast %broadcast_in_dim3A_384 : vector<8x1x1xi32> to vector<8x512x128xi32>
    %le3A_386 = arith.cmpi sle, %add3A, %le3A_385 : vector<8x512x128xi32>
    %jit3A_387 = arith.constant 0.000000e+00 : f32
    %broadcast_in_dim3A_388 = vector.broadcast %jit3A_387 : f32 to vector<8x512x128xf32>
    %select_n3A_389 = arith.select %le3A_386, %get3A_2, %broadcast_in_dim3A_388 : vector<8x512x128xi1>, vector<8x512x128xf32>
    %reduce_sum3A_390 = arith.constant dense<0.000000e+00> : vector<8xf32>
    %reduce_sum3A_391 = vector.multi_reduction <add>, %select_n3A_389, %reduce_sum3A_390 [1, 2] : vector<8x512x128xf32> to vector<8xf32>
    %reshape3A_392 = vector.shape_cast %reduce_sum3A_391 : vector<8xf32> to vector<8x1xf32>
    %ge3A_393 = arith.cmpf oge, %reshape3A_392, %slice3A : vector<8x1xf32>
    %select_n3A_394 = arith.select %ge3A_393, %select_n3A_383, %select_n3A_350 : vector<8x1xi1>, vector<8x1xi32>
    %select_n3A_395 = arith.select %ge3A_393, %select_n3A_351, %select_n3A_383 : vector<8x1xi1>, vector<8x1xi32>
    %add3A_396 = arith.addi %select_n3A_395, %select_n3A_394 : vector<8x1xi32>
    %jit3A_397 = arith.constant 2 : i32
    %div3A_398 = vector.broadcast %jit3A_397 : i32 to vector<8x1xi32>
    %div3A_399 = arith.divsi %add3A_396, %div3A_398 : vector<8x1xi32>
    %sign3A_400 = arith.constant 0 : i32
    %sign3A_401 = vector.broadcast %sign3A_400 : i32 to vector<8x1xi32>
    %sign3A_402 = arith.cmpi sgt, %add3A_396, %sign3A_401 : vector<8x1xi32>
    %sign3A_403 = arith.extui %sign3A_402 : vector<8x1xi1> to vector<8x1xi32>
    %sign3A_404 = arith.constant 0 : i32
    %sign3A_405 = vector.broadcast %sign3A_404 : i32 to vector<8x1xi32>
    %sign3A_406 = arith.cmpi slt, %add3A_396, %sign3A_405 : vector<8x1xi32>
    %sign3A_407 = arith.extui %sign3A_406 : vector<8x1xi1> to vector<8x1xi32>
    %sign3A_408 = arith.subi %sign3A_403, %sign3A_407 : vector<8x1xi32>
    %sign3A_409 = arith.constant 0 : i32
    %sign3A_410 = arith.cmpi sgt, %jit3A_397, %sign3A_409 : i32
    %sign3A_411 = arith.extui %sign3A_410 : i1 to i32
    %sign3A_412 = arith.constant 0 : i32
    %sign3A_413 = arith.cmpi slt, %jit3A_397, %sign3A_412 : i32
    %sign3A_414 = arith.extui %sign3A_413 : i1 to i32
    %sign3A_415 = arith.subi %sign3A_411, %sign3A_414 : i32
    %ne3A_416 = vector.broadcast %sign3A_415 : i32 to vector<8x1xi32>
    %ne3A_417 = arith.cmpi ne, %sign3A_408, %ne3A_416 : vector<8x1xi32>
    %rem3A_418 = vector.broadcast %jit3A_397 : i32 to vector<8x1xi32>
    %rem3A_419 = arith.remsi %add3A_396, %rem3A_418 : vector<8x1xi32>
    %ne3A_420 = arith.constant 0 : i32
    %ne3A_421 = vector.broadcast %ne3A_420 : i32 to vector<8x1xi32>
    %ne3A_422 = arith.cmpi ne, %rem3A_419, %ne3A_421 : vector<8x1xi32>
    %and3A_423 = arith.andi %ne3A_417, %ne3A_422 : vector<8x1xi1>
    %sub3A_424 = arith.constant 1 : i32
    %sub3A_425 = vector.broadcast %sub3A_424 : i32 to vector<8x1xi32>
    %sub3A_426 = arith.subi %div3A_399, %sub3A_425 : vector<8x1xi32>
    %select_n3A_427 = arith.select %and3A_423, %sub3A_426, %div3A_399 : vector<8x1xi1>, vector<8x1xi32>
    %broadcast_in_dim3A_428 = vector.shape_cast %select_n3A_427 : vector<8x1xi32> to vector<8x1x1xi32>
    %le3A_429 = vector.broadcast %broadcast_in_dim3A_428 : vector<8x1x1xi32> to vector<8x512x128xi32>
    %le3A_430 = arith.cmpi sle, %add3A, %le3A_429 : vector<8x512x128xi32>
    %jit3A_431 = arith.constant 0.000000e+00 : f32
    %broadcast_in_dim3A_432 = vector.broadcast %jit3A_431 : f32 to vector<8x512x128xf32>
    %select_n3A_433 = arith.select %le3A_430, %get3A_2, %broadcast_in_dim3A_432 : vector<8x512x128xi1>, vector<8x512x128xf32>
    %reduce_sum3A_434 = arith.constant dense<0.000000e+00> : vector<8xf32>
    %reduce_sum3A_435 = vector.multi_reduction <add>, %select_n3A_433, %reduce_sum3A_434 [1, 2] : vector<8x512x128xf32> to vector<8xf32>
    %reshape3A_436 = vector.shape_cast %reduce_sum3A_435 : vector<8xf32> to vector<8x1xf32>
    %ge3A_437 = arith.cmpf oge, %reshape3A_436, %slice3A : vector<8x1xf32>
    %select_n3A_438 = arith.select %ge3A_437, %select_n3A_427, %select_n3A_394 : vector<8x1xi1>, vector<8x1xi32>
    %select_n3A_439 = arith.select %ge3A_437, %select_n3A_395, %select_n3A_427 : vector<8x1xi1>, vector<8x1xi32>
    %add3A_440 = arith.addi %select_n3A_439, %select_n3A_438 : vector<8x1xi32>
    %jit3A_441 = arith.constant 2 : i32
    %div3A_442 = vector.broadcast %jit3A_441 : i32 to vector<8x1xi32>
    %div3A_443 = arith.divsi %add3A_440, %div3A_442 : vector<8x1xi32>
    %sign3A_444 = arith.constant 0 : i32
    %sign3A_445 = vector.broadcast %sign3A_444 : i32 to vector<8x1xi32>
    %sign3A_446 = arith.cmpi sgt, %add3A_440, %sign3A_445 : vector<8x1xi32>
    %sign3A_447 = arith.extui %sign3A_446 : vector<8x1xi1> to vector<8x1xi32>
    %sign3A_448 = arith.constant 0 : i32
    %sign3A_449 = vector.broadcast %sign3A_448 : i32 to vector<8x1xi32>
    %sign3A_450 = arith.cmpi slt, %add3A_440, %sign3A_449 : vector<8x1xi32>
    %sign3A_451 = arith.extui %sign3A_450 : vector<8x1xi1> to vector<8x1xi32>
    %sign3A_452 = arith.subi %sign3A_447, %sign3A_451 : vector<8x1xi32>
    %sign3A_453 = arith.constant 0 : i32
    %sign3A_454 = arith.cmpi sgt, %jit3A_441, %sign3A_453 : i32
    %sign3A_455 = arith.extui %sign3A_454 : i1 to i32
    %sign3A_456 = arith.constant 0 : i32
    %sign3A_457 = arith.cmpi slt, %jit3A_441, %sign3A_456 : i32
    %sign3A_458 = arith.extui %sign3A_457 : i1 to i32
    %sign3A_459 = arith.subi %sign3A_455, %sign3A_458 : i32
    %ne3A_460 = vector.broadcast %sign3A_459 : i32 to vector<8x1xi32>
    %ne3A_461 = arith.cmpi ne, %sign3A_452, %ne3A_460 : vector<8x1xi32>
    %rem3A_462 = vector.broadcast %jit3A_441 : i32 to vector<8x1xi32>
    %rem3A_463 = arith.remsi %add3A_440, %rem3A_462 : vector<8x1xi32>
    %ne3A_464 = arith.constant 0 : i32
    %ne3A_465 = vector.broadcast %ne3A_464 : i32 to vector<8x1xi32>
    %ne3A_466 = arith.cmpi ne, %rem3A_463, %ne3A_465 : vector<8x1xi32>
    %and3A_467 = arith.andi %ne3A_461, %ne3A_466 : vector<8x1xi1>
    %sub3A_468 = arith.constant 1 : i32
    %sub3A_469 = vector.broadcast %sub3A_468 : i32 to vector<8x1xi32>
    %sub3A_470 = arith.subi %div3A_443, %sub3A_469 : vector<8x1xi32>
    %select_n3A_471 = arith.select %and3A_467, %sub3A_470, %div3A_443 : vector<8x1xi1>, vector<8x1xi32>
    %broadcast_in_dim3A_472 = vector.shape_cast %select_n3A_471 : vector<8x1xi32> to vector<8x1x1xi32>
    %le3A_473 = vector.broadcast %broadcast_in_dim3A_472 : vector<8x1x1xi32> to vector<8x512x128xi32>
    %le3A_474 = arith.cmpi sle, %add3A, %le3A_473 : vector<8x512x128xi32>
    %jit3A_475 = arith.constant 0.000000e+00 : f32
    %broadcast_in_dim3A_476 = vector.broadcast %jit3A_475 : f32 to vector<8x512x128xf32>
    %select_n3A_477 = arith.select %le3A_474, %get3A_2, %broadcast_in_dim3A_476 : vector<8x512x128xi1>, vector<8x512x128xf32>
    %reduce_sum3A_478 = arith.constant dense<0.000000e+00> : vector<8xf32>
    %reduce_sum3A_479 = vector.multi_reduction <add>, %select_n3A_477, %reduce_sum3A_478 [1, 2] : vector<8x512x128xf32> to vector<8xf32>
    %reshape3A_480 = vector.shape_cast %reduce_sum3A_479 : vector<8xf32> to vector<8x1xf32>
    %ge3A_481 = arith.cmpf oge, %reshape3A_480, %slice3A : vector<8x1xf32>
    %select_n3A_482 = arith.select %ge3A_481, %select_n3A_471, %select_n3A_438 : vector<8x1xi1>, vector<8x1xi32>
    %select_n3A_483 = arith.select %ge3A_481, %select_n3A_439, %select_n3A_471 : vector<8x1xi1>, vector<8x1xi32>
    %add3A_484 = arith.addi %select_n3A_483, %select_n3A_482 : vector<8x1xi32>
    %jit3A_485 = arith.constant 2 : i32
    %div3A_486 = vector.broadcast %jit3A_485 : i32 to vector<8x1xi32>
    %div3A_487 = arith.divsi %add3A_484, %div3A_486 : vector<8x1xi32>
    %sign3A_488 = arith.constant 0 : i32
    %sign3A_489 = vector.broadcast %sign3A_488 : i32 to vector<8x1xi32>
    %sign3A_490 = arith.cmpi sgt, %add3A_484, %sign3A_489 : vector<8x1xi32>
    %sign3A_491 = arith.extui %sign3A_490 : vector<8x1xi1> to vector<8x1xi32>
    %sign3A_492 = arith.constant 0 : i32
    %sign3A_493 = vector.broadcast %sign3A_492 : i32 to vector<8x1xi32>
    %sign3A_494 = arith.cmpi slt, %add3A_484, %sign3A_493 : vector<8x1xi32>
    %sign3A_495 = arith.extui %sign3A_494 : vector<8x1xi1> to vector<8x1xi32>
    %sign3A_496 = arith.subi %sign3A_491, %sign3A_495 : vector<8x1xi32>
    %sign3A_497 = arith.constant 0 : i32
    %sign3A_498 = arith.cmpi sgt, %jit3A_485, %sign3A_497 : i32
    %sign3A_499 = arith.extui %sign3A_498 : i1 to i32
    %sign3A_500 = arith.constant 0 : i32
    %sign3A_501 = arith.cmpi slt, %jit3A_485, %sign3A_500 : i32
    %sign3A_502 = arith.extui %sign3A_501 : i1 to i32
    %sign3A_503 = arith.subi %sign3A_499, %sign3A_502 : i32
    %ne3A_504 = vector.broadcast %sign3A_503 : i32 to vector<8x1xi32>
    %ne3A_505 = arith.cmpi ne, %sign3A_496, %ne3A_504 : vector<8x1xi32>
    %rem3A_506 = vector.broadcast %jit3A_485 : i32 to vector<8x1xi32>
    %rem3A_507 = arith.remsi %add3A_484, %rem3A_506 : vector<8x1xi32>
    %ne3A_508 = arith.constant 0 : i32
    %ne3A_509 = vector.broadcast %ne3A_508 : i32 to vector<8x1xi32>
    %ne3A_510 = arith.cmpi ne, %rem3A_507, %ne3A_509 : vector<8x1xi32>
    %and3A_511 = arith.andi %ne3A_505, %ne3A_510 : vector<8x1xi1>
    %sub3A_512 = arith.constant 1 : i32
    %sub3A_513 = vector.broadcast %sub3A_512 : i32 to vector<8x1xi32>
    %sub3A_514 = arith.subi %div3A_487, %sub3A_513 : vector<8x1xi32>
    %select_n3A_515 = arith.select %and3A_511, %sub3A_514, %div3A_487 : vector<8x1xi1>, vector<8x1xi32>
    %broadcast_in_dim3A_516 = vector.shape_cast %select_n3A_515 : vector<8x1xi32> to vector<8x1x1xi32>
    %le3A_517 = vector.broadcast %broadcast_in_dim3A_516 : vector<8x1x1xi32> to vector<8x512x128xi32>
    %le3A_518 = arith.cmpi sle, %add3A, %le3A_517 : vector<8x512x128xi32>
    %jit3A_519 = arith.constant 0.000000e+00 : f32
    %broadcast_in_dim3A_520 = vector.broadcast %jit3A_519 : f32 to vector<8x512x128xf32>
    %select_n3A_521 = arith.select %le3A_518, %get3A_2, %broadcast_in_dim3A_520 : vector<8x512x128xi1>, vector<8x512x128xf32>
    %reduce_sum3A_522 = arith.constant dense<0.000000e+00> : vector<8xf32>
    %reduce_sum3A_523 = vector.multi_reduction <add>, %select_n3A_521, %reduce_sum3A_522 [1, 2] : vector<8x512x128xf32> to vector<8xf32>
    %reshape3A_524 = vector.shape_cast %reduce_sum3A_523 : vector<8xf32> to vector<8x1xf32>
    %ge3A_525 = arith.cmpf oge, %reshape3A_524, %slice3A : vector<8x1xf32>
    %select_n3A_526 = arith.select %ge3A_525, %select_n3A_515, %select_n3A_482 : vector<8x1xi1>, vector<8x1xi32>
    %select_n3A_527 = arith.select %ge3A_525, %select_n3A_483, %select_n3A_515 : vector<8x1xi1>, vector<8x1xi32>
    %add3A_528 = arith.addi %select_n3A_527, %select_n3A_526 : vector<8x1xi32>
    %jit3A_529 = arith.constant 2 : i32
    %div3A_530 = vector.broadcast %jit3A_529 : i32 to vector<8x1xi32>
    %div3A_531 = arith.divsi %add3A_528, %div3A_530 : vector<8x1xi32>
    %sign3A_532 = arith.constant 0 : i32
    %sign3A_533 = vector.broadcast %sign3A_532 : i32 to vector<8x1xi32>
    %sign3A_534 = arith.cmpi sgt, %add3A_528, %sign3A_533 : vector<8x1xi32>
    %sign3A_535 = arith.extui %sign3A_534 : vector<8x1xi1> to vector<8x1xi32>
    %sign3A_536 = arith.constant 0 : i32
    %sign3A_537 = vector.broadcast %sign3A_536 : i32 to vector<8x1xi32>
    %sign3A_538 = arith.cmpi slt, %add3A_528, %sign3A_537 : vector<8x1xi32>
    %sign3A_539 = arith.extui %sign3A_538 : vector<8x1xi1> to vector<8x1xi32>
    %sign3A_540 = arith.subi %sign3A_535, %sign3A_539 : vector<8x1xi32>
    %sign3A_541 = arith.constant 0 : i32
    %sign3A_542 = arith.cmpi sgt, %jit3A_529, %sign3A_541 : i32
    %sign3A_543 = arith.extui %sign3A_542 : i1 to i32
    %sign3A_544 = arith.constant 0 : i32
    %sign3A_545 = arith.cmpi slt, %jit3A_529, %sign3A_544 : i32
    %sign3A_546 = arith.extui %sign3A_545 : i1 to i32
    %sign3A_547 = arith.subi %sign3A_543, %sign3A_546 : i32
    %ne3A_548 = vector.broadcast %sign3A_547 : i32 to vector<8x1xi32>
    %ne3A_549 = arith.cmpi ne, %sign3A_540, %ne3A_548 : vector<8x1xi32>
    %rem3A_550 = vector.broadcast %jit3A_529 : i32 to vector<8x1xi32>
    %rem3A_551 = arith.remsi %add3A_528, %rem3A_550 : vector<8x1xi32>
    %ne3A_552 = arith.constant 0 : i32
    %ne3A_553 = vector.broadcast %ne3A_552 : i32 to vector<8x1xi32>
    %ne3A_554 = arith.cmpi ne, %rem3A_551, %ne3A_553 : vector<8x1xi32>
    %and3A_555 = arith.andi %ne3A_549, %ne3A_554 : vector<8x1xi1>
    %sub3A_556 = arith.constant 1 : i32
    %sub3A_557 = vector.broadcast %sub3A_556 : i32 to vector<8x1xi32>
    %sub3A_558 = arith.subi %div3A_531, %sub3A_557 : vector<8x1xi32>
    %select_n3A_559 = arith.select %and3A_555, %sub3A_558, %div3A_531 : vector<8x1xi1>, vector<8x1xi32>
    %broadcast_in_dim3A_560 = vector.shape_cast %select_n3A_559 : vector<8x1xi32> to vector<8x1x1xi32>
    %le3A_561 = vector.broadcast %broadcast_in_dim3A_560 : vector<8x1x1xi32> to vector<8x512x128xi32>
    %le3A_562 = arith.cmpi sle, %add3A, %le3A_561 : vector<8x512x128xi32>
    %jit3A_563 = arith.constant 0.000000e+00 : f32
    %broadcast_in_dim3A_564 = vector.broadcast %jit3A_563 : f32 to vector<8x512x128xf32>
    %select_n3A_565 = arith.select %le3A_562, %get3A_2, %broadcast_in_dim3A_564 : vector<8x512x128xi1>, vector<8x512x128xf32>
    %reduce_sum3A_566 = arith.constant dense<0.000000e+00> : vector<8xf32>
    %reduce_sum3A_567 = vector.multi_reduction <add>, %select_n3A_565, %reduce_sum3A_566 [1, 2] : vector<8x512x128xf32> to vector<8xf32>
    %reshape3A_568 = vector.shape_cast %reduce_sum3A_567 : vector<8xf32> to vector<8x1xf32>
    %ge3A_569 = arith.cmpf oge, %reshape3A_568, %slice3A : vector<8x1xf32>
    %select_n3A_570 = arith.select %ge3A_569, %select_n3A_559, %select_n3A_526 : vector<8x1xi1>, vector<8x1xi32>
    %select_n3A_571 = arith.select %ge3A_569, %select_n3A_527, %select_n3A_559 : vector<8x1xi1>, vector<8x1xi32>
    %add3A_572 = arith.addi %select_n3A_571, %select_n3A_570 : vector<8x1xi32>
    %jit3A_573 = arith.constant 2 : i32
    %div3A_574 = vector.broadcast %jit3A_573 : i32 to vector<8x1xi32>
    %div3A_575 = arith.divsi %add3A_572, %div3A_574 : vector<8x1xi32>
    %sign3A_576 = arith.constant 0 : i32
    %sign3A_577 = vector.broadcast %sign3A_576 : i32 to vector<8x1xi32>
    %sign3A_578 = arith.cmpi sgt, %add3A_572, %sign3A_577 : vector<8x1xi32>
    %sign3A_579 = arith.extui %sign3A_578 : vector<8x1xi1> to vector<8x1xi32>
    %sign3A_580 = arith.constant 0 : i32
    %sign3A_581 = vector.broadcast %sign3A_580 : i32 to vector<8x1xi32>
    %sign3A_582 = arith.cmpi slt, %add3A_572, %sign3A_581 : vector<8x1xi32>
    %sign3A_583 = arith.extui %sign3A_582 : vector<8x1xi1> to vector<8x1xi32>
    %sign3A_584 = arith.subi %sign3A_579, %sign3A_583 : vector<8x1xi32>
    %sign3A_585 = arith.constant 0 : i32
    %sign3A_586 = arith.cmpi sgt, %jit3A_573, %sign3A_585 : i32
    %sign3A_587 = arith.extui %sign3A_586 : i1 to i32
    %sign3A_588 = arith.constant 0 : i32
    %sign3A_589 = arith.cmpi slt, %jit3A_573, %sign3A_588 : i32
    %sign3A_590 = arith.extui %sign3A_589 : i1 to i32
    %sign3A_591 = arith.subi %sign3A_587, %sign3A_590 : i32
    %ne3A_592 = vector.broadcast %sign3A_591 : i32 to vector<8x1xi32>
    %ne3A_593 = arith.cmpi ne, %sign3A_584, %ne3A_592 : vector<8x1xi32>
    %rem3A_594 = vector.broadcast %jit3A_573 : i32 to vector<8x1xi32>
    %rem3A_595 = arith.remsi %add3A_572, %rem3A_594 : vector<8x1xi32>
    %ne3A_596 = arith.constant 0 : i32
    %ne3A_597 = vector.broadcast %ne3A_596 : i32 to vector<8x1xi32>
    %ne3A_598 = arith.cmpi ne, %rem3A_595, %ne3A_597 : vector<8x1xi32>
    %and3A_599 = arith.andi %ne3A_593, %ne3A_598 : vector<8x1xi1>
    %sub3A_600 = arith.constant 1 : i32
    %sub3A_601 = vector.broadcast %sub3A_600 : i32 to vector<8x1xi32>
    %sub3A_602 = arith.subi %div3A_575, %sub3A_601 : vector<8x1xi32>
    %select_n3A_603 = arith.select %and3A_599, %sub3A_602, %div3A_575 : vector<8x1xi1>, vector<8x1xi32>
    %broadcast_in_dim3A_604 = vector.shape_cast %select_n3A_603 : vector<8x1xi32> to vector<8x1x1xi32>
    %le3A_605 = vector.broadcast %broadcast_in_dim3A_604 : vector<8x1x1xi32> to vector<8x512x128xi32>
    %le3A_606 = arith.cmpi sle, %add3A, %le3A_605 : vector<8x512x128xi32>
    %jit3A_607 = arith.constant 0.000000e+00 : f32
    %broadcast_in_dim3A_608 = vector.broadcast %jit3A_607 : f32 to vector<8x512x128xf32>
    %select_n3A_609 = arith.select %le3A_606, %get3A_2, %broadcast_in_dim3A_608 : vector<8x512x128xi1>, vector<8x512x128xf32>
    %reduce_sum3A_610 = arith.constant dense<0.000000e+00> : vector<8xf32>
    %reduce_sum3A_611 = vector.multi_reduction <add>, %select_n3A_609, %reduce_sum3A_610 [1, 2] : vector<8x512x128xf32> to vector<8xf32>
    %reshape3A_612 = vector.shape_cast %reduce_sum3A_611 : vector<8xf32> to vector<8x1xf32>
    %ge3A_613 = arith.cmpf oge, %reshape3A_612, %slice3A : vector<8x1xf32>
    %select_n3A_614 = arith.select %ge3A_613, %select_n3A_603, %select_n3A_570 : vector<8x1xi1>, vector<8x1xi32>
    %select_n3A_615 = arith.select %ge3A_613, %select_n3A_571, %select_n3A_603 : vector<8x1xi1>, vector<8x1xi32>
    %add3A_616 = arith.addi %select_n3A_615, %select_n3A_614 : vector<8x1xi32>
    %jit3A_617 = arith.constant 2 : i32
    %div3A_618 = vector.broadcast %jit3A_617 : i32 to vector<8x1xi32>
    %div3A_619 = arith.divsi %add3A_616, %div3A_618 : vector<8x1xi32>
    %sign3A_620 = arith.constant 0 : i32
    %sign3A_621 = vector.broadcast %sign3A_620 : i32 to vector<8x1xi32>
    %sign3A_622 = arith.cmpi sgt, %add3A_616, %sign3A_621 : vector<8x1xi32>
    %sign3A_623 = arith.extui %sign3A_622 : vector<8x1xi1> to vector<8x1xi32>
    %sign3A_624 = arith.constant 0 : i32
    %sign3A_625 = vector.broadcast %sign3A_624 : i32 to vector<8x1xi32>
    %sign3A_626 = arith.cmpi slt, %add3A_616, %sign3A_625 : vector<8x1xi32>
    %sign3A_627 = arith.extui %sign3A_626 : vector<8x1xi1> to vector<8x1xi32>
    %sign3A_628 = arith.subi %sign3A_623, %sign3A_627 : vector<8x1xi32>
    %sign3A_629 = arith.constant 0 : i32
    %sign3A_630 = arith.cmpi sgt, %jit3A_617, %sign3A_629 : i32
    %sign3A_631 = arith.extui %sign3A_630 : i1 to i32
    %sign3A_632 = arith.constant 0 : i32
    %sign3A_633 = arith.cmpi slt, %jit3A_617, %sign3A_632 : i32
    %sign3A_634 = arith.extui %sign3A_633 : i1 to i32
    %sign3A_635 = arith.subi %sign3A_631, %sign3A_634 : i32
    %ne3A_636 = vector.broadcast %sign3A_635 : i32 to vector<8x1xi32>
    %ne3A_637 = arith.cmpi ne, %sign3A_628, %ne3A_636 : vector<8x1xi32>
    %rem3A_638 = vector.broadcast %jit3A_617 : i32 to vector<8x1xi32>
    %rem3A_639 = arith.remsi %add3A_616, %rem3A_638 : vector<8x1xi32>
    %ne3A_640 = arith.constant 0 : i32
    %ne3A_641 = vector.broadcast %ne3A_640 : i32 to vector<8x1xi32>
    %ne3A_642 = arith.cmpi ne, %rem3A_639, %ne3A_641 : vector<8x1xi32>
    %and3A_643 = arith.andi %ne3A_637, %ne3A_642 : vector<8x1xi1>
    %sub3A_644 = arith.constant 1 : i32
    %sub3A_645 = vector.broadcast %sub3A_644 : i32 to vector<8x1xi32>
    %sub3A_646 = arith.subi %div3A_619, %sub3A_645 : vector<8x1xi32>
    %select_n3A_647 = arith.select %and3A_643, %sub3A_646, %div3A_619 : vector<8x1xi1>, vector<8x1xi32>
    %broadcast_in_dim3A_648 = vector.shape_cast %select_n3A_647 : vector<8x1xi32> to vector<8x1x1xi32>
    %le3A_649 = vector.broadcast %broadcast_in_dim3A_648 : vector<8x1x1xi32> to vector<8x512x128xi32>
    %le3A_650 = arith.cmpi sle, %add3A, %le3A_649 : vector<8x512x128xi32>
    %jit3A_651 = arith.constant 0.000000e+00 : f32
    %broadcast_in_dim3A_652 = vector.broadcast %jit3A_651 : f32 to vector<8x512x128xf32>
    %select_n3A_653 = arith.select %le3A_650, %get3A_2, %broadcast_in_dim3A_652 : vector<8x512x128xi1>, vector<8x512x128xf32>
    %reduce_sum3A_654 = arith.constant dense<0.000000e+00> : vector<8xf32>
    %reduce_sum3A_655 = vector.multi_reduction <add>, %select_n3A_653, %reduce_sum3A_654 [1, 2] : vector<8x512x128xf32> to vector<8xf32>
    %reshape3A_656 = vector.shape_cast %reduce_sum3A_655 : vector<8xf32> to vector<8x1xf32>
    %ge3A_657 = arith.cmpf oge, %reshape3A_656, %slice3A : vector<8x1xf32>
    %select_n3A_658 = arith.select %ge3A_657, %select_n3A_647, %select_n3A_614 : vector<8x1xi1>, vector<8x1xi32>
    %select_n3A_659 = arith.select %ge3A_657, %select_n3A_615, %select_n3A_647 : vector<8x1xi1>, vector<8x1xi32>
    %add3A_660 = arith.addi %select_n3A_659, %select_n3A_658 : vector<8x1xi32>
    %jit3A_661 = arith.constant 2 : i32
    %div3A_662 = vector.broadcast %jit3A_661 : i32 to vector<8x1xi32>
    %div3A_663 = arith.divsi %add3A_660, %div3A_662 : vector<8x1xi32>
    %sign3A_664 = arith.constant 0 : i32
    %sign3A_665 = vector.broadcast %sign3A_664 : i32 to vector<8x1xi32>
    %sign3A_666 = arith.cmpi sgt, %add3A_660, %sign3A_665 : vector<8x1xi32>
    %sign3A_667 = arith.extui %sign3A_666 : vector<8x1xi1> to vector<8x1xi32>
    %sign3A_668 = arith.constant 0 : i32
    %sign3A_669 = vector.broadcast %sign3A_668 : i32 to vector<8x1xi32>
    %sign3A_670 = arith.cmpi slt, %add3A_660, %sign3A_669 : vector<8x1xi32>
    %sign3A_671 = arith.extui %sign3A_670 : vector<8x1xi1> to vector<8x1xi32>
    %sign3A_672 = arith.subi %sign3A_667, %sign3A_671 : vector<8x1xi32>
    %sign3A_673 = arith.constant 0 : i32
    %sign3A_674 = arith.cmpi sgt, %jit3A_661, %sign3A_673 : i32
    %sign3A_675 = arith.extui %sign3A_674 : i1 to i32
    %sign3A_676 = arith.constant 0 : i32
    %sign3A_677 = arith.cmpi slt, %jit3A_661, %sign3A_676 : i32
    %sign3A_678 = arith.extui %sign3A_677 : i1 to i32
    %sign3A_679 = arith.subi %sign3A_675, %sign3A_678 : i32
    %ne3A_680 = vector.broadcast %sign3A_679 : i32 to vector<8x1xi32>
    %ne3A_681 = arith.cmpi ne, %sign3A_672, %ne3A_680 : vector<8x1xi32>
    %rem3A_682 = vector.broadcast %jit3A_661 : i32 to vector<8x1xi32>
    %rem3A_683 = arith.remsi %add3A_660, %rem3A_682 : vector<8x1xi32>
    %ne3A_684 = arith.constant 0 : i32
    %ne3A_685 = vector.broadcast %ne3A_684 : i32 to vector<8x1xi32>
    %ne3A_686 = arith.cmpi ne, %rem3A_683, %ne3A_685 : vector<8x1xi32>
    %and3A_687 = arith.andi %ne3A_681, %ne3A_686 : vector<8x1xi1>
    %sub3A_688 = arith.constant 1 : i32
    %sub3A_689 = vector.broadcast %sub3A_688 : i32 to vector<8x1xi32>
    %sub3A_690 = arith.subi %div3A_663, %sub3A_689 : vector<8x1xi32>
    %select_n3A_691 = arith.select %and3A_687, %sub3A_690, %div3A_663 : vector<8x1xi1>, vector<8x1xi32>
    %broadcast_in_dim3A_692 = vector.shape_cast %select_n3A_691 : vector<8x1xi32> to vector<8x1x1xi32>
    %le3A_693 = vector.broadcast %broadcast_in_dim3A_692 : vector<8x1x1xi32> to vector<8x512x128xi32>
    %le3A_694 = arith.cmpi sle, %add3A, %le3A_693 : vector<8x512x128xi32>
    %jit3A_695 = arith.constant 0.000000e+00 : f32
    %broadcast_in_dim3A_696 = vector.broadcast %jit3A_695 : f32 to vector<8x512x128xf32>
    %select_n3A_697 = arith.select %le3A_694, %get3A_2, %broadcast_in_dim3A_696 : vector<8x512x128xi1>, vector<8x512x128xf32>
    %reduce_sum3A_698 = arith.constant dense<0.000000e+00> : vector<8xf32>
    %reduce_sum3A_699 = vector.multi_reduction <add>, %select_n3A_697, %reduce_sum3A_698 [1, 2] : vector<8x512x128xf32> to vector<8xf32>
    %reshape3A_700 = vector.shape_cast %reduce_sum3A_699 : vector<8xf32> to vector<8x1xf32>
    %ge3A_701 = arith.cmpf oge, %reshape3A_700, %slice3A : vector<8x1xf32>
    %select_n3A_702 = arith.select %ge3A_701, %select_n3A_691, %select_n3A_658 : vector<8x1xi1>, vector<8x1xi32>
    %sub3A_703 = arith.constant 1 : i32
    %sub3A_704 = vector.broadcast %sub3A_703 : i32 to vector<8x1xi32>
    %sub3A_705 = arith.subi %select_n3A_702, %sub3A_704 : vector<8x1xi32>
    %broadcast_in_dim3A_706 = vector.shape_cast %sub3A_705 : vector<8x1xi32> to vector<8x1x1xi32>
    %le3A_707 = vector.broadcast %broadcast_in_dim3A_706 : vector<8x1x1xi32> to vector<8x512x128xi32>
    %le3A_708 = arith.cmpi sle, %add3A, %le3A_707 : vector<8x512x128xi32>
    %jit3A_709 = arith.constant 0.000000e+00 : f32
    %broadcast_in_dim3A_710 = vector.broadcast %jit3A_709 : f32 to vector<8x512x128xf32>
    %select_n3A_711 = arith.select %le3A_708, %get3A_2, %broadcast_in_dim3A_710 : vector<8x512x128xi1>, vector<8x512x128xf32>
    %reduce_sum3A_712 = arith.constant dense<0.000000e+00> : vector<8xf32>
    %reduce_sum3A_713 = vector.multi_reduction <add>, %select_n3A_711, %reduce_sum3A_712 [1, 2] : vector<8x512x128xf32> to vector<8xf32>
    %reshape3A_714 = vector.shape_cast %reduce_sum3A_713 : vector<8xf32> to vector<8x1xf32>
    %sub3A_715 = arith.subf %slice3A, %reshape3A_714 : vector<8x1xf32>
    %broadcast_in_dim3A_716 = vector.shape_cast %select_n3A_702 : vector<8x1xi32> to vector<8x1xi32>
    %broadcast_in_dim3A_717 = vector.broadcast %broadcast_in_dim3A_716 : vector<8x1xi32> to vector<8x128xi32>
    %swap3A = arith.constant 0 : index
    %swap3A_718 = arith.constant 0 : index
    %swap3A_719 = vector.load %arg2[%swap3A, %swap3A_718] : memref<8x128xi32, #tpu.memory_space<vmem>>, vector<8x128xi32>
    tpu.vector_store %arg2[%swap3A, %swap3A_718], %broadcast_in_dim3A_717 {strides = array<i32>} : memref<8x128xi32, #tpu.memory_space<vmem>>, vector<8x128xi32>,
    %broadcast_in_dim3A_720 = vector.shape_cast %sub3A_715 : vector<8x1xf32> to vector<8x1xf32>
    %broadcast_in_dim3A_721 = vector.broadcast %broadcast_in_dim3A_720 : vector<8x1xf32> to vector<8x128xf32>
    %swap3A_722 = arith.constant 0 : index
    %swap3A_723 = arith.constant 0 : index
    %swap3A_724 = vector.load %arg3[%swap3A_722, %swap3A_723] : memref<8x128xf32, #tpu.memory_space<vmem>>, vector<8x128xf32>
    tpu.vector_store %arg3[%swap3A_722, %swap3A_723], %broadcast_in_dim3A_721 {strides = array<i32>} : memref<8x128xf32, #tpu.memory_space<vmem>>, vector<8x128xf32>,
    return
  }
}

module attributes {stable_mosaic.version = 14 : i64} {
  func.func @_lambda_(%arg0: memref<8x512x128xf32, #tpu.memory_space<vmem>>, %arg1: memref<8x128xf32, #tpu.memory_space<vmem>>, %arg2: memref<8x128xi32, #tpu.memory_space<vmem>>, %arg3: memref<8x128xi32, #tpu.memory_space<vmem>>, %arg4: memref<8x128xf32, #tpu.memory_space<vmem>>) attributes {dimension_semantics = [], scalar_prefetch = 0 : i64, scratch_operands = 0 : i64, tpu.core_type = #tpu.core_type<tc>} {
    %get3A = arith.constant 0 : index
    %get3A_0 = arith.constant 0 : index
    %get3A_1 = arith.constant 0 : index
    %get3A_2 = vector.load %arg0[%get3A, %get3A_0, %get3A_1] : memref<8x512x128xf32, #tpu.memory_space<vmem>>, vector<8x512x128xf32>
    %get3A_3 = arith.constant 0 : index
    %get3A_4 = arith.constant 0 : index
    %get3A_5 = vector.load %arg1[%get3A_3, %get3A_4] : memref<8x128xf32, #tpu.memory_space<vmem>>, vector<8x128xf32>
    %slice3A = vector.extract_strided_slice %get3A_5 {offsets = [0, 0], sizes = [8, 1], strides = [1, 1]} : vector<8x128xf32> to vector<8x1xf32>
    %iota3A = tpu.iota {dimensions = array<i32: 1>} : vector<8x512x128xi32>
    %iota3A_6 = tpu.iota {dimensions = array<i32: 2>} : vector<8x512x128xi32>
    %mul3A = arith.constant 128 : i32
    %mul3A_7 = vector.broadcast %mul3A : i32 to vector<8x512x128xi32>
    %mul3A_8 = arith.muli %iota3A, %mul3A_7 : vector<8x512x128xi32>
    %add3A = arith.addi %mul3A_8, %iota3A_6 : vector<8x512x128xi32>
    %broadcast_in_dim3A = arith.constant -1 : i32
    %broadcast_in_dim3A_9 = vector.broadcast %broadcast_in_dim3A : i32 to vector<8x1xi32>
    %broadcast_in_dim3A_10 = arith.constant 65535 : i32
    %broadcast_in_dim3A_11 = vector.broadcast %broadcast_in_dim3A_10 : i32 to vector<8x1xi32>
    %add3A_12 = arith.addi %broadcast_in_dim3A_9, %broadcast_in_dim3A_11 : vector<8x1xi32>
    %jit3A = arith.constant 2 : i32
    %div3A = vector.broadcast %jit3A : i32 to vector<8x1xi32>
    %div3A_13 = arith.divsi %add3A_12, %div3A : vector<8x1xi32>
    %sign3A = arith.constant 0 : i32
    %sign3A_14 = vector.broadcast %sign3A : i32 to vector<8x1xi32>
    %sign3A_15 = arith.cmpi sgt, %add3A_12, %sign3A_14 : vector<8x1xi32>
    %sign3A_16 = arith.extui %sign3A_15 : vector<8x1xi1> to vector<8x1xi32>
    %sign3A_17 = arith.constant 0 : i32
    %sign3A_18 = vector.broadcast %sign3A_17 : i32 to vector<8x1xi32>
    %sign3A_19 = arith.cmpi slt, %add3A_12, %sign3A_18 : vector<8x1xi32>
    %sign3A_20 = arith.extui %sign3A_19 : vector<8x1xi1> to vector<8x1xi32>
    %sign3A_21 = arith.subi %sign3A_16, %sign3A_20 : vector<8x1xi32>
    %sign3A_22 = arith.constant 0 : i32
    %sign3A_23 = arith.cmpi sgt, %jit3A, %sign3A_22 : i32
    %sign3A_24 = arith.extui %sign3A_23 : i1 to i32
    %sign3A_25 = arith.constant 0 : i32
    %sign3A_26 = arith.cmpi slt, %jit3A, %sign3A_25 : i32
    %sign3A_27 = arith.extui %sign3A_26 : i1 to i32
    %sign3A_28 = arith.subi %sign3A_24, %sign3A_27 : i32
    %ne3A = vector.broadcast %sign3A_28 : i32 to vector<8x1xi32>
    %ne3A_29 = arith.cmpi ne, %sign3A_21, %ne3A : vector<8x1xi32>
    %rem3A = vector.broadcast %jit3A : i32 to vector<8x1xi32>
    %rem3A_30 = arith.remsi %add3A_12, %rem3A : vector<8x1xi32>
    %ne3A_31 = arith.constant 0 : i32
    %ne3A_32 = vector.broadcast %ne3A_31 : i32 to vector<8x1xi32>
    %ne3A_33 = arith.cmpi ne, %rem3A_30, %ne3A_32 : vector<8x1xi32>
    %and3A = arith.andi %ne3A_29, %ne3A_33 : vector<8x1xi1>
    %sub3A = arith.constant 1 : i32
    %sub3A_34 = vector.broadcast %sub3A : i32 to vector<8x1xi32>
    %sub3A_35 = arith.subi %div3A_13, %sub3A_34 : vector<8x1xi32>
    %select_n3A = arith.select %and3A, %sub3A_35, %div3A_13 : vector<8x1xi1>, vector<8x1xi32>
    %broadcast_in_dim3A_36 = vector.shape_cast %select_n3A : vector<8x1xi32> to vector<8x1x1xi32>
    %le3A = vector.broadcast %broadcast_in_dim3A_36 : vector<8x1x1xi32> to vector<8x512x128xi32>
    %le3A_37 = arith.cmpi sle, %add3A, %le3A : vector<8x512x128xi32>
    %jit3A_38 = arith.constant 0.000000e+00 : f32
    %broadcast_in_dim3A_39 = vector.broadcast %jit3A_38 : f32 to vector<8x512x128xf32>
    %select_n3A_40 = arith.select %le3A_37, %get3A_2, %broadcast_in_dim3A_39 : vector<8x512x128xi1>, vector<8x512x128xf32>
    %reduce_sum3A = arith.constant dense<0.000000e+00> : vector<8xf32>
    %reduce_sum3A_41 = vector.multi_reduction <add>, %select_n3A_40, %reduce_sum3A [1, 2] : vector<8x512x128xf32> to vector<8xf32>
    %reshape3A = vector.shape_cast %reduce_sum3A_41 : vector<8xf32> to vector<8x1xf32>
    %ge3A = arith.cmpf oge, %reshape3A, %slice3A : vector<8x1xf32>
    %select_n3A_42 = arith.select %ge3A, %select_n3A, %broadcast_in_dim3A_11 : vector<8x1xi1>, vector<8x1xi32>
    %select_n3A_43 = arith.select %ge3A, %broadcast_in_dim3A_9, %select_n3A : vector<8x1xi1>, vector<8x1xi32>
    %add3A_44 = arith.addi %select_n3A_43, %select_n3A_42 : vector<8x1xi32>
    %jit3A_45 = arith.constant 2 : i32
    %div3A_46 = vector.broadcast %jit3A_45 : i32 to vector<8x1xi32>
    %div3A_47 = arith.divsi %add3A_44, %div3A_46 : vector<8x1xi32>
    %sign3A_48 = arith.constant 0 : i32
    %sign3A_49 = vector.broadcast %sign3A_48 : i32 to vector<8x1xi32>
    %sign3A_50 = arith.cmpi sgt, %add3A_44, %sign3A_49 : vector<8x1xi32>
    %sign3A_51 = arith.extui %sign3A_50 : vector<8x1xi1> to vector<8x1xi32>
    %sign3A_52 = arith.constant 0 : i32
    %sign3A_53 = vector.broadcast %sign3A_52 : i32 to vector<8x1xi32>
    %sign3A_54 = arith.cmpi slt, %add3A_44, %sign3A_53 : vector<8x1xi32>
    %sign3A_55 = arith.extui %sign3A_54 : vector<8x1xi1> to vector<8x1xi32>
    %sign3A_56 = arith.subi %sign3A_51, %sign3A_55 : vector<8x1xi32>
    %sign3A_57 = arith.constant 0 : i32
    %sign3A_58 = arith.cmpi sgt, %jit3A_45, %sign3A_57 : i32
    %sign3A_59 = arith.extui %sign3A_58 : i1 to i32
    %sign3A_60 = arith.constant 0 : i32
    %sign3A_61 = arith.cmpi slt, %jit3A_45, %sign3A_60 : i32
    %sign3A_62 = arith.extui %sign3A_61 : i1 to i32
    %sign3A_63 = arith.subi %sign3A_59, %sign3A_62 : i32
    %ne3A_64 = vector.broadcast %sign3A_63 : i32 to vector<8x1xi32>
    %ne3A_65 = arith.cmpi ne, %sign3A_56, %ne3A_64 : vector<8x1xi32>
    %rem3A_66 = vector.broadcast %jit3A_45 : i32 to vector<8x1xi32>
    %rem3A_67 = arith.remsi %add3A_44, %rem3A_66 : vector<8x1xi32>
    %ne3A_68 = arith.constant 0 : i32
    %ne3A_69 = vector.broadcast %ne3A_68 : i32 to vector<8x1xi32>
    %ne3A_70 = arith.cmpi ne, %rem3A_67, %ne3A_69 : vector<8x1xi32>
    %and3A_71 = arith.andi %ne3A_65, %ne3A_70 : vector<8x1xi1>
    %sub3A_72 = arith.constant 1 : i32
    %sub3A_73 = vector.broadcast %sub3A_72 : i32 to vector<8x1xi32>
    %sub3A_74 = arith.subi %div3A_47, %sub3A_73 : vector<8x1xi32>
    %select_n3A_75 = arith.select %and3A_71, %sub3A_74, %div3A_47 : vector<8x1xi1>, vector<8x1xi32>
    %broadcast_in_dim3A_76 = vector.shape_cast %select_n3A_75 : vector<8x1xi32> to vector<8x1x1xi32>
    %le3A_77 = vector.broadcast %broadcast_in_dim3A_76 : vector<8x1x1xi32> to vector<8x512x128xi32>
    %le3A_78 = arith.cmpi sle, %add3A, %le3A_77 : vector<8x512x128xi32>
    %jit3A_79 = arith.constant 0.000000e+00 : f32
    %broadcast_in_dim3A_80 = vector.broadcast %jit3A_79 : f32 to vector<8x512x128xf32>
    %select_n3A_81 = arith.select %le3A_78, %get3A_2, %broadcast_in_dim3A_80 : vector<8x512x128xi1>, vector<8x512x128xf32>
    %reduce_sum3A_82 = arith.constant dense<0.000000e+00> : vector<8xf32>
    %reduce_sum3A_83 = vector.multi_reduction <add>, %select_n3A_81, %reduce_sum3A_82 [1, 2] : vector<8x512x128xf32> to vector<8xf32>
    %reshape3A_84 = vector.shape_cast %reduce_sum3A_83 : vector<8xf32> to vector<8x1xf32>
    %ge3A_85 = arith.cmpf oge, %reshape3A_84, %slice3A : vector<8x1xf32>
    %select_n3A_86 = arith.select %ge3A_85, %select_n3A_75, %select_n3A_42 : vector<8x1xi1>, vector<8x1xi32>
    %select_n3A_87 = arith.select %ge3A_85, %select_n3A_43, %select_n3A_75 : vector<8x1xi1>, vector<8x1xi32>
    %add3A_88 = arith.addi %select_n3A_87, %select_n3A_86 : vector<8x1xi32>
    %jit3A_89 = arith.constant 2 : i32
    %div3A_90 = vector.broadcast %jit3A_89 : i32 to vector<8x1xi32>
    %div3A_91 = arith.divsi %add3A_88, %div3A_90 : vector<8x1xi32>
    %sign3A_92 = arith.constant 0 : i32
    %sign3A_93 = vector.broadcast %sign3A_92 : i32 to vector<8x1xi32>
    %sign3A_94 = arith.cmpi sgt, %add3A_88, %sign3A_93 : vector<8x1xi32>
    %sign3A_95 = arith.extui %sign3A_94 : vector<8x1xi1> to vector<8x1xi32>
    %sign3A_96 = arith.constant 0 : i32
    %sign3A_97 = vector.broadcast %sign3A_96 : i32 to vector<8x1xi32>
    %sign3A_98 = arith.cmpi slt, %add3A_88, %sign3A_97 : vector<8x1xi32>
    %sign3A_99 = arith.extui %sign3A_98 : vector<8x1xi1> to vector<8x1xi32>
    %sign3A_100 = arith.subi %sign3A_95, %sign3A_99 : vector<8x1xi32>
    %sign3A_101 = arith.constant 0 : i32
    %sign3A_102 = arith.cmpi sgt, %jit3A_89, %sign3A_101 : i32
    %sign3A_103 = arith.extui %sign3A_102 : i1 to i32
    %sign3A_104 = arith.constant 0 : i32
    %sign3A_105 = arith.cmpi slt, %jit3A_89, %sign3A_104 : i32
    %sign3A_106 = arith.extui %sign3A_105 : i1 to i32
    %sign3A_107 = arith.subi %sign3A_103, %sign3A_106 : i32
    %ne3A_108 = vector.broadcast %sign3A_107 : i32 to vector<8x1xi32>
    %ne3A_109 = arith.cmpi ne, %sign3A_100, %ne3A_108 : vector<8x1xi32>
    %rem3A_110 = vector.broadcast %jit3A_89 : i32 to vector<8x1xi32>
    %rem3A_111 = arith.remsi %add3A_88, %rem3A_110 : vector<8x1xi32>
    %ne3A_112 = arith.constant 0 : i32
    %ne3A_113 = vector.broadcast %ne3A_112 : i32 to vector<8x1xi32>
    %ne3A_114 = arith.cmpi ne, %rem3A_111, %ne3A_113 : vector<8x1xi32>
    %and3A_115 = arith.andi %ne3A_109, %ne3A_114 : vector<8x1xi1>
    %sub3A_116 = arith.constant 1 : i32
    %sub3A_117 = vector.broadcast %sub3A_116 : i32 to vector<8x1xi32>
    %sub3A_118 = arith.subi %div3A_91, %sub3A_117 : vector<8x1xi32>
    %select_n3A_119 = arith.select %and3A_115, %sub3A_118, %div3A_91 : vector<8x1xi1>, vector<8x1xi32>
    %broadcast_in_dim3A_120 = vector.shape_cast %select_n3A_119 : vector<8x1xi32> to vector<8x1x1xi32>
    %le3A_121 = vector.broadcast %broadcast_in_dim3A_120 : vector<8x1x1xi32> to vector<8x512x128xi32>
    %le3A_122 = arith.cmpi sle, %add3A, %le3A_121 : vector<8x512x128xi32>
    %jit3A_123 = arith.constant 0.000000e+00 : f32
    %broadcast_in_dim3A_124 = vector.broadcast %jit3A_123 : f32 to vector<8x512x128xf32>
    %select_n3A_125 = arith.select %le3A_122, %get3A_2, %broadcast_in_dim3A_124 : vector<8x512x128xi1>, vector<8x512x128xf32>
    %reduce_sum3A_126 = arith.constant dense<0.000000e+00> : vector<8xf32>
    %reduce_sum3A_127 = vector.multi_reduction <add>, %select_n3A_125, %reduce_sum3A_126 [1, 2] : vector<8x512x128xf32> to vector<8xf32>
    %reshape3A_128 = vector.shape_cast %reduce_sum3A_127 : vector<8xf32> to vector<8x1xf32>
    %ge3A_129 = arith.cmpf oge, %reshape3A_128, %slice3A : vector<8x1xf32>
    %select_n3A_130 = arith.select %ge3A_129, %select_n3A_119, %select_n3A_86 : vector<8x1xi1>, vector<8x1xi32>
    %select_n3A_131 = arith.select %ge3A_129, %select_n3A_87, %select_n3A_119 : vector<8x1xi1>, vector<8x1xi32>
    %add3A_132 = arith.addi %select_n3A_131, %select_n3A_130 : vector<8x1xi32>
    %jit3A_133 = arith.constant 2 : i32
    %div3A_134 = vector.broadcast %jit3A_133 : i32 to vector<8x1xi32>
    %div3A_135 = arith.divsi %add3A_132, %div3A_134 : vector<8x1xi32>
    %sign3A_136 = arith.constant 0 : i32
    %sign3A_137 = vector.broadcast %sign3A_136 : i32 to vector<8x1xi32>
    %sign3A_138 = arith.cmpi sgt, %add3A_132, %sign3A_137 : vector<8x1xi32>
    %sign3A_139 = arith.extui %sign3A_138 : vector<8x1xi1> to vector<8x1xi32>
    %sign3A_140 = arith.constant 0 : i32
    %sign3A_141 = vector.broadcast %sign3A_140 : i32 to vector<8x1xi32>
    %sign3A_142 = arith.cmpi slt, %add3A_132, %sign3A_141 : vector<8x1xi32>
    %sign3A_143 = arith.extui %sign3A_142 : vector<8x1xi1> to vector<8x1xi32>
    %sign3A_144 = arith.subi %sign3A_139, %sign3A_143 : vector<8x1xi32>
    %sign3A_145 = arith.constant 0 : i32
    %sign3A_146 = arith.cmpi sgt, %jit3A_133, %sign3A_145 : i32
    %sign3A_147 = arith.extui %sign3A_146 : i1 to i32
    %sign3A_148 = arith.constant 0 : i32
    %sign3A_149 = arith.cmpi slt, %jit3A_133, %sign3A_148 : i32
    %sign3A_150 = arith.extui %sign3A_149 : i1 to i32
    %sign3A_151 = arith.subi %sign3A_147, %sign3A_150 : i32
    %ne3A_152 = vector.broadcast %sign3A_151 : i32 to vector<8x1xi32>
    %ne3A_153 = arith.cmpi ne, %sign3A_144, %ne3A_152 : vector<8x1xi32>
    %rem3A_154 = vector.broadcast %jit3A_133 : i32 to vector<8x1xi32>
    %rem3A_155 = arith.remsi %add3A_132, %rem3A_154 : vector<8x1xi32>
    %ne3A_156 = arith.constant 0 : i32
    %ne3A_157 = vector.broadcast %ne3A_156 : i32 to vector<8x1xi32>
    %ne3A_158 = arith.cmpi ne, %rem3A_155, %ne3A_157 : vector<8x1xi32>
    %and3A_159 = arith.andi %ne3A_153, %ne3A_158 : vector<8x1xi1>
    %sub3A_160 = arith.constant 1 : i32
    %sub3A_161 = vector.broadcast %sub3A_160 : i32 to vector<8x1xi32>
    %sub3A_162 = arith.subi %div3A_135, %sub3A_161 : vector<8x1xi32>
    %select_n3A_163 = arith.select %and3A_159, %sub3A_162, %div3A_135 : vector<8x1xi1>, vector<8x1xi32>
    %broadcast_in_dim3A_164 = vector.shape_cast %select_n3A_163 : vector<8x1xi32> to vector<8x1x1xi32>
    %le3A_165 = vector.broadcast %broadcast_in_dim3A_164 : vector<8x1x1xi32> to vector<8x512x128xi32>
    %le3A_166 = arith.cmpi sle, %add3A, %le3A_165 : vector<8x512x128xi32>
    %jit3A_167 = arith.constant 0.000000e+00 : f32
    %broadcast_in_dim3A_168 = vector.broadcast %jit3A_167 : f32 to vector<8x512x128xf32>
    %select_n3A_169 = arith.select %le3A_166, %get3A_2, %broadcast_in_dim3A_168 : vector<8x512x128xi1>, vector<8x512x128xf32>
    %reduce_sum3A_170 = arith.constant dense<0.000000e+00> : vector<8xf32>
    %reduce_sum3A_171 = vector.multi_reduction <add>, %select_n3A_169, %reduce_sum3A_170 [1, 2] : vector<8x512x128xf32> to vector<8xf32>
    %reshape3A_172 = vector.shape_cast %reduce_sum3A_171 : vector<8xf32> to vector<8x1xf32>
    %ge3A_173 = arith.cmpf oge, %reshape3A_172, %slice3A : vector<8x1xf32>
    %select_n3A_174 = arith.select %ge3A_173, %select_n3A_163, %select_n3A_130 : vector<8x1xi1>, vector<8x1xi32>
    %select_n3A_175 = arith.select %ge3A_173, %select_n3A_131, %select_n3A_163 : vector<8x1xi1>, vector<8x1xi32>
    %add3A_176 = arith.addi %select_n3A_175, %select_n3A_174 : vector<8x1xi32>
    %jit3A_177 = arith.constant 2 : i32
    %div3A_178 = vector.broadcast %jit3A_177 : i32 to vector<8x1xi32>
    %div3A_179 = arith.divsi %add3A_176, %div3A_178 : vector<8x1xi32>
    %sign3A_180 = arith.constant 0 : i32
    %sign3A_181 = vector.broadcast %sign3A_180 : i32 to vector<8x1xi32>
    %sign3A_182 = arith.cmpi sgt, %add3A_176, %sign3A_181 : vector<8x1xi32>
    %sign3A_183 = arith.extui %sign3A_182 : vector<8x1xi1> to vector<8x1xi32>
    %sign3A_184 = arith.constant 0 : i32
    %sign3A_185 = vector.broadcast %sign3A_184 : i32 to vector<8x1xi32>
    %sign3A_186 = arith.cmpi slt, %add3A_176, %sign3A_185 : vector<8x1xi32>
    %sign3A_187 = arith.extui %sign3A_186 : vector<8x1xi1> to vector<8x1xi32>
    %sign3A_188 = arith.subi %sign3A_183, %sign3A_187 : vector<8x1xi32>
    %sign3A_189 = arith.constant 0 : i32
    %sign3A_190 = arith.cmpi sgt, %jit3A_177, %sign3A_189 : i32
    %sign3A_191 = arith.extui %sign3A_190 : i1 to i32
    %sign3A_192 = arith.constant 0 : i32
    %sign3A_193 = arith.cmpi slt, %jit3A_177, %sign3A_192 : i32
    %sign3A_194 = arith.extui %sign3A_193 : i1 to i32
    %sign3A_195 = arith.subi %sign3A_191, %sign3A_194 : i32
    %ne3A_196 = vector.broadcast %sign3A_195 : i32 to vector<8x1xi32>
    %ne3A_197 = arith.cmpi ne, %sign3A_188, %ne3A_196 : vector<8x1xi32>
    %rem3A_198 = vector.broadcast %jit3A_177 : i32 to vector<8x1xi32>
    %rem3A_199 = arith.remsi %add3A_176, %rem3A_198 : vector<8x1xi32>
    %ne3A_200 = arith.constant 0 : i32
    %ne3A_201 = vector.broadcast %ne3A_200 : i32 to vector<8x1xi32>
    %ne3A_202 = arith.cmpi ne, %rem3A_199, %ne3A_201 : vector<8x1xi32>
    %and3A_203 = arith.andi %ne3A_197, %ne3A_202 : vector<8x1xi1>
    %sub3A_204 = arith.constant 1 : i32
    %sub3A_205 = vector.broadcast %sub3A_204 : i32 to vector<8x1xi32>
    %sub3A_206 = arith.subi %div3A_179, %sub3A_205 : vector<8x1xi32>
    %select_n3A_207 = arith.select %and3A_203, %sub3A_206, %div3A_179 : vector<8x1xi1>, vector<8x1xi32>
    %broadcast_in_dim3A_208 = vector.shape_cast %select_n3A_207 : vector<8x1xi32> to vector<8x1x1xi32>
    %le3A_209 = vector.broadcast %broadcast_in_dim3A_208 : vector<8x1x1xi32> to vector<8x512x128xi32>
    %le3A_210 = arith.cmpi sle, %add3A, %le3A_209 : vector<8x512x128xi32>
    %jit3A_211 = arith.constant 0.000000e+00 : f32
    %broadcast_in_dim3A_212 = vector.broadcast %jit3A_211 : f32 to vector<8x512x128xf32>
    %select_n3A_213 = arith.select %le3A_210, %get3A_2, %broadcast_in_dim3A_212 : vector<8x512x128xi1>, vector<8x512x128xf32>
    %reduce_sum3A_214 = arith.constant dense<0.000000e+00> : vector<8xf32>
    %reduce_sum3A_215 = vector.multi_reduction <add>, %select_n3A_213, %reduce_sum3A_214 [1, 2] : vector<8x512x128xf32> to vector<8xf32>
    %reshape3A_216 = vector.shape_cast %reduce_sum3A_215 : vector<8xf32> to vector<8x1xf32>
    %ge3A_217 = arith.cmpf oge, %reshape3A_216, %slice3A : vector<8x1xf32>
    %select_n3A_218 = arith.select %ge3A_217, %select_n3A_207, %select_n3A_174 : vector<8x1xi1>, vector<8x1xi32>
    %select_n3A_219 = arith.select %ge3A_217, %select_n3A_175, %select_n3A_207 : vector<8x1xi1>, vector<8x1xi32>
    %add3A_220 = arith.addi %select_n3A_219, %select_n3A_218 : vector<8x1xi32>
    %jit3A_221 = arith.constant 2 : i32
    %div3A_222 = vector.broadcast %jit3A_221 : i32 to vector<8x1xi32>
    %div3A_223 = arith.divsi %add3A_220, %div3A_222 : vector<8x1xi32>
    %sign3A_224 = arith.constant 0 : i32
    %sign3A_225 = vector.broadcast %sign3A_224 : i32 to vector<8x1xi32>
    %sign3A_226 = arith.cmpi sgt, %add3A_220, %sign3A_225 : vector<8x1xi32>
    %sign3A_227 = arith.extui %sign3A_226 : vector<8x1xi1> to vector<8x1xi32>
    %sign3A_228 = arith.constant 0 : i32
    %sign3A_229 = vector.broadcast %sign3A_228 : i32 to vector<8x1xi32>
    %sign3A_230 = arith.cmpi slt, %add3A_220, %sign3A_229 : vector<8x1xi32>
    %sign3A_231 = arith.extui %sign3A_230 : vector<8x1xi1> to vector<8x1xi32>
    %sign3A_232 = arith.subi %sign3A_227, %sign3A_231 : vector<8x1xi32>
    %sign3A_233 = arith.constant 0 : i32
    %sign3A_234 = arith.cmpi sgt, %jit3A_221, %sign3A_233 : i32
    %sign3A_235 = arith.extui %sign3A_234 : i1 to i32
    %sign3A_236 = arith.constant 0 : i32
    %sign3A_237 = arith.cmpi slt, %jit3A_221, %sign3A_236 : i32
    %sign3A_238 = arith.extui %sign3A_237 : i1 to i32
    %sign3A_239 = arith.subi %sign3A_235, %sign3A_238 : i32
    %ne3A_240 = vector.broadcast %sign3A_239 : i32 to vector<8x1xi32>
    %ne3A_241 = arith.cmpi ne, %sign3A_232, %ne3A_240 : vector<8x1xi32>
    %rem3A_242 = vector.broadcast %jit3A_221 : i32 to vector<8x1xi32>
    %rem3A_243 = arith.remsi %add3A_220, %rem3A_242 : vector<8x1xi32>
    %ne3A_244 = arith.constant 0 : i32
    %ne3A_245 = vector.broadcast %ne3A_244 : i32 to vector<8x1xi32>
    %ne3A_246 = arith.cmpi ne, %rem3A_243, %ne3A_245 : vector<8x1xi32>
    %and3A_247 = arith.andi %ne3A_241, %ne3A_246 : vector<8x1xi1>
    %sub3A_248 = arith.constant 1 : i32
    %sub3A_249 = vector.broadcast %sub3A_248 : i32 to vector<8x1xi32>
    %sub3A_250 = arith.subi %div3A_223, %sub3A_249 : vector<8x1xi32>
    %select_n3A_251 = arith.select %and3A_247, %sub3A_250, %div3A_223 : vector<8x1xi1>, vector<8x1xi32>
    %broadcast_in_dim3A_252 = vector.shape_cast %select_n3A_251 : vector<8x1xi32> to vector<8x1x1xi32>
    %le3A_253 = vector.broadcast %broadcast_in_dim3A_252 : vector<8x1x1xi32> to vector<8x512x128xi32>
    %le3A_254 = arith.cmpi sle, %add3A, %le3A_253 : vector<8x512x128xi32>
    %jit3A_255 = arith.constant 0.000000e+00 : f32
    %broadcast_in_dim3A_256 = vector.broadcast %jit3A_255 : f32 to vector<8x512x128xf32>
    %select_n3A_257 = arith.select %le3A_254, %get3A_2, %broadcast_in_dim3A_256 : vector<8x512x128xi1>, vector<8x512x128xf32>
    %reduce_sum3A_258 = arith.constant dense<0.000000e+00> : vector<8xf32>
    %reduce_sum3A_259 = vector.multi_reduction <add>, %select_n3A_257, %reduce_sum3A_258 [1, 2] : vector<8x512x128xf32> to vector<8xf32>
    %reshape3A_260 = vector.shape_cast %reduce_sum3A_259 : vector<8xf32> to vector<8x1xf32>
    %ge3A_261 = arith.cmpf oge, %reshape3A_260, %slice3A : vector<8x1xf32>
    %select_n3A_262 = arith.select %ge3A_261, %select_n3A_251, %select_n3A_218 : vector<8x1xi1>, vector<8x1xi32>
    %select_n3A_263 = arith.select %ge3A_261, %select_n3A_219, %select_n3A_251 : vector<8x1xi1>, vector<8x1xi32>
    %add3A_264 = arith.addi %select_n3A_263, %select_n3A_262 : vector<8x1xi32>
    %jit3A_265 = arith.constant 2 : i32
    %div3A_266 = vector.broadcast %jit3A_265 : i32 to vector<8x1xi32>
    %div3A_267 = arith.divsi %add3A_264, %div3A_266 : vector<8x1xi32>
    %sign3A_268 = arith.constant 0 : i32
    %sign3A_269 = vector.broadcast %sign3A_268 : i32 to vector<8x1xi32>
    %sign3A_270 = arith.cmpi sgt, %add3A_264, %sign3A_269 : vector<8x1xi32>
    %sign3A_271 = arith.extui %sign3A_270 : vector<8x1xi1> to vector<8x1xi32>
    %sign3A_272 = arith.constant 0 : i32
    %sign3A_273 = vector.broadcast %sign3A_272 : i32 to vector<8x1xi32>
    %sign3A_274 = arith.cmpi slt, %add3A_264, %sign3A_273 : vector<8x1xi32>
    %sign3A_275 = arith.extui %sign3A_274 : vector<8x1xi1> to vector<8x1xi32>
    %sign3A_276 = arith.subi %sign3A_271, %sign3A_275 : vector<8x1xi32>
    %sign3A_277 = arith.constant 0 : i32
    %sign3A_278 = arith.cmpi sgt, %jit3A_265, %sign3A_277 : i32
    %sign3A_279 = arith.extui %sign3A_278 : i1 to i32
    %sign3A_280 = arith.constant 0 : i32
    %sign3A_281 = arith.cmpi slt, %jit3A_265, %sign3A_280 : i32
    %sign3A_282 = arith.extui %sign3A_281 : i1 to i32
    %sign3A_283 = arith.subi %sign3A_279, %sign3A_282 : i32
    %ne3A_284 = vector.broadcast %sign3A_283 : i32 to vector<8x1xi32>
    %ne3A_285 = arith.cmpi ne, %sign3A_276, %ne3A_284 : vector<8x1xi32>
    %rem3A_286 = vector.broadcast %jit3A_265 : i32 to vector<8x1xi32>
    %rem3A_287 = arith.remsi %add3A_264, %rem3A_286 : vector<8x1xi32>
    %ne3A_288 = arith.constant 0 : i32
    %ne3A_289 = vector.broadcast %ne3A_288 : i32 to vector<8x1xi32>
    %ne3A_290 = arith.cmpi ne, %rem3A_287, %ne3A_289 : vector<8x1xi32>
    %and3A_291 = arith.andi %ne3A_285, %ne3A_290 : vector<8x1xi1>
    %sub3A_292 = arith.constant 1 : i32
    %sub3A_293 = vector.broadcast %sub3A_292 : i32 to vector<8x1xi32>
    %sub3A_294 = arith.subi %div3A_267, %sub3A_293 : vector<8x1xi32>
    %select_n3A_295 = arith.select %and3A_291, %sub3A_294, %div3A_267 : vector<8x1xi1>, vector<8x1xi32>
    %broadcast_in_dim3A_296 = vector.shape_cast %select_n3A_295 : vector<8x1xi32> to vector<8x1x1xi32>
    %le3A_297 = vector.broadcast %broadcast_in_dim3A_296 : vector<8x1x1xi32> to vector<8x512x128xi32>
    %le3A_298 = arith.cmpi sle, %add3A, %le3A_297 : vector<8x512x128xi32>
    %jit3A_299 = arith.constant 0.000000e+00 : f32
    %broadcast_in_dim3A_300 = vector.broadcast %jit3A_299 : f32 to vector<8x512x128xf32>
    %select_n3A_301 = arith.select %le3A_298, %get3A_2, %broadcast_in_dim3A_300 : vector<8x512x128xi1>, vector<8x512x128xf32>
    %reduce_sum3A_302 = arith.constant dense<0.000000e+00> : vector<8xf32>
    %reduce_sum3A_303 = vector.multi_reduction <add>, %select_n3A_301, %reduce_sum3A_302 [1, 2] : vector<8x512x128xf32> to vector<8xf32>
    %reshape3A_304 = vector.shape_cast %reduce_sum3A_303 : vector<8xf32> to vector<8x1xf32>
    %ge3A_305 = arith.cmpf oge, %reshape3A_304, %slice3A : vector<8x1xf32>
    %select_n3A_306 = arith.select %ge3A_305, %select_n3A_295, %select_n3A_262 : vector<8x1xi1>, vector<8x1xi32>
    %select_n3A_307 = arith.select %ge3A_305, %select_n3A_263, %select_n3A_295 : vector<8x1xi1>, vector<8x1xi32>
    %add3A_308 = arith.addi %select_n3A_307, %select_n3A_306 : vector<8x1xi32>
    %jit3A_309 = arith.constant 2 : i32
    %div3A_310 = vector.broadcast %jit3A_309 : i32 to vector<8x1xi32>
    %div3A_311 = arith.divsi %add3A_308, %div3A_310 : vector<8x1xi32>
    %sign3A_312 = arith.constant 0 : i32
    %sign3A_313 = vector.broadcast %sign3A_312 : i32 to vector<8x1xi32>
    %sign3A_314 = arith.cmpi sgt, %add3A_308, %sign3A_313 : vector<8x1xi32>
    %sign3A_315 = arith.extui %sign3A_314 : vector<8x1xi1> to vector<8x1xi32>
    %sign3A_316 = arith.constant 0 : i32
    %sign3A_317 = vector.broadcast %sign3A_316 : i32 to vector<8x1xi32>
    %sign3A_318 = arith.cmpi slt, %add3A_308, %sign3A_317 : vector<8x1xi32>
    %sign3A_319 = arith.extui %sign3A_318 : vector<8x1xi1> to vector<8x1xi32>
    %sign3A_320 = arith.subi %sign3A_315, %sign3A_319 : vector<8x1xi32>
    %sign3A_321 = arith.constant 0 : i32
    %sign3A_322 = arith.cmpi sgt, %jit3A_309, %sign3A_321 : i32
    %sign3A_323 = arith.extui %sign3A_322 : i1 to i32
    %sign3A_324 = arith.constant 0 : i32
    %sign3A_325 = arith.cmpi slt, %jit3A_309, %sign3A_324 : i32
    %sign3A_326 = arith.extui %sign3A_325 : i1 to i32
    %sign3A_327 = arith.subi %sign3A_323, %sign3A_326 : i32
    %ne3A_328 = vector.broadcast %sign3A_327 : i32 to vector<8x1xi32>
    %ne3A_329 = arith.cmpi ne, %sign3A_320, %ne3A_328 : vector<8x1xi32>
    %rem3A_330 = vector.broadcast %jit3A_309 : i32 to vector<8x1xi32>
    %rem3A_331 = arith.remsi %add3A_308, %rem3A_330 : vector<8x1xi32>
    %ne3A_332 = arith.constant 0 : i32
    %ne3A_333 = vector.broadcast %ne3A_332 : i32 to vector<8x1xi32>
    %ne3A_334 = arith.cmpi ne, %rem3A_331, %ne3A_333 : vector<8x1xi32>
    %and3A_335 = arith.andi %ne3A_329, %ne3A_334 : vector<8x1xi1>
    %sub3A_336 = arith.constant 1 : i32
    %sub3A_337 = vector.broadcast %sub3A_336 : i32 to vector<8x1xi32>
    %sub3A_338 = arith.subi %div3A_311, %sub3A_337 : vector<8x1xi32>
    %select_n3A_339 = arith.select %and3A_335, %sub3A_338, %div3A_311 : vector<8x1xi1>, vector<8x1xi32>
    %broadcast_in_dim3A_340 = vector.shape_cast %select_n3A_339 : vector<8x1xi32> to vector<8x1x1xi32>
    %le3A_341 = vector.broadcast %broadcast_in_dim3A_340 : vector<8x1x1xi32> to vector<8x512x128xi32>
    %le3A_342 = arith.cmpi sle, %add3A, %le3A_341 : vector<8x512x128xi32>
    %jit3A_343 = arith.constant 0.000000e+00 : f32
    %broadcast_in_dim3A_344 = vector.broadcast %jit3A_343 : f32 to vector<8x512x128xf32>
    %select_n3A_345 = arith.select %le3A_342, %get3A_2, %broadcast_in_dim3A_344 : vector<8x512x128xi1>, vector<8x512x128xf32>
    %reduce_sum3A_346 = arith.constant dense<0.000000e+00> : vector<8xf32>
    %reduce_sum3A_347 = vector.multi_reduction <add>, %select_n3A_345, %reduce_sum3A_346 [1, 2] : vector<8x512x128xf32> to vector<8xf32>
    %reshape3A_348 = vector.shape_cast %reduce_sum3A_347 : vector<8xf32> to vector<8x1xf32>
    %ge3A_349 = arith.cmpf oge, %reshape3A_348, %slice3A : vector<8x1xf32>
    %select_n3A_350 = arith.select %ge3A_349, %select_n3A_339, %select_n3A_306 : vector<8x1xi1>, vector<8x1xi32>
    %select_n3A_351 = arith.select %ge3A_349, %select_n3A_307, %select_n3A_339 : vector<8x1xi1>, vector<8x1xi32>
    %add3A_352 = arith.addi %select_n3A_351, %select_n3A_350 : vector<8x1xi32>
    %jit3A_353 = arith.constant 2 : i32
    %div3A_354 = vector.broadcast %jit3A_353 : i32 to vector<8x1xi32>
    %div3A_355 = arith.divsi %add3A_352, %div3A_354 : vector<8x1xi32>
    %sign3A_356 = arith.constant 0 : i32
    %sign3A_357 = vector.broadcast %sign3A_356 : i32 to vector<8x1xi32>
    %sign3A_358 = arith.cmpi sgt, %add3A_352, %sign3A_357 : vector<8x1xi32>
    %sign3A_359 = arith.extui %sign3A_358 : vector<8x1xi1> to vector<8x1xi32>
    %sign3A_360 = arith.constant 0 : i32
    %sign3A_361 = vector.broadcast %sign3A_360 : i32 to vector<8x1xi32>
    %sign3A_362 = arith.cmpi slt, %add3A_352, %sign3A_361 : vector<8x1xi32>
    %sign3A_363 = arith.extui %sign3A_362 : vector<8x1xi1> to vector<8x1xi32>
    %sign3A_364 = arith.subi %sign3A_359, %sign3A_363 : vector<8x1xi32>
    %sign3A_365 = arith.constant 0 : i32
    %sign3A_366 = arith.cmpi sgt, %jit3A_353, %sign3A_365 : i32
    %sign3A_367 = arith.extui %sign3A_366 : i1 to i32
    %sign3A_368 = arith.constant 0 : i32
    %sign3A_369 = arith.cmpi slt, %jit3A_353, %sign3A_368 : i32
    %sign3A_370 = arith.extui %sign3A_369 : i1 to i32
    %sign3A_371 = arith.subi %sign3A_367, %sign3A_370 : i32
    %ne3A_372 = vector.broadcast %sign3A_371 : i32 to vector<8x1xi32>
    %ne3A_373 = arith.cmpi ne, %sign3A_364, %ne3A_372 : vector<8x1xi32>
    %rem3A_374 = vector.broadcast %jit3A_353 : i32 to vector<8x1xi32>
    %rem3A_375 = arith.remsi %add3A_352, %rem3A_374 : vector<8x1xi32>
    %ne3A_376 = arith.constant 0 : i32
    %ne3A_377 = vector.broadcast %ne3A_376 : i32 to vector<8x1xi32>
    %ne3A_378 = arith.cmpi ne, %rem3A_375, %ne3A_377 : vector<8x1xi32>
    %and3A_379 = arith.andi %ne3A_373, %ne3A_378 : vector<8x1xi1>
    %sub3A_380 = arith.constant 1 : i32
    %sub3A_381 = vector.broadcast %sub3A_380 : i32 to vector<8x1xi32>
    %sub3A_382 = arith.subi %div3A_355, %sub3A_381 : vector<8x1xi32>
    %select_n3A_383 = arith.select %and3A_379, %sub3A_382, %div3A_355 : vector<8x1xi1>, vector<8x1xi32>
    %broadcast_in_dim3A_384 = vector.shape_cast %select_n3A_383 : vector<8x1xi32> to vector<8x1x1xi32>
    %le3A_385 = vector.broadcast %broadcast_in_dim3A_384 : vector<8x1x1xi32> to vector<8x512x128xi32>
    %le3A_386 = arith.cmpi sle, %add3A, %le3A_385 : vector<8x512x128xi32>
    %jit3A_387 = arith.constant 0.000000e+00 : f32
    %broadcast_in_dim3A_388 = vector.broadcast %jit3A_387 : f32 to vector<8x512x128xf32>
    %select_n3A_389 = arith.select %le3A_386, %get3A_2, %broadcast_in_dim3A_388 : vector<8x512x128xi1>, vector<8x512x128xf32>
    %reduce_sum3A_390 = arith.constant dense<0.000000e+00> : vector<8xf32>
    %reduce_sum3A_391 = vector.multi_reduction <add>, %select_n3A_389, %reduce_sum3A_390 [1, 2] : vector<8x512x128xf32> to vector<8xf32>
    %reshape3A_392 = vector.shape_cast %reduce_sum3A_391 : vector<8xf32> to vector<8x1xf32>
    %ge3A_393 = arith.cmpf oge, %reshape3A_392, %slice3A : vector<8x1xf32>
    %select_n3A_394 = arith.select %ge3A_393, %select_n3A_383, %select_n3A_350 : vector<8x1xi1>, vector<8x1xi32>
    %select_n3A_395 = arith.select %ge3A_393, %select_n3A_351, %select_n3A_383 : vector<8x1xi1>, vector<8x1xi32>
    %add3A_396 = arith.addi %select_n3A_395, %select_n3A_394 : vector<8x1xi32>
    %jit3A_397 = arith.constant 2 : i32
    %div3A_398 = vector.broadcast %jit3A_397 : i32 to vector<8x1xi32>
    %div3A_399 = arith.divsi %add3A_396, %div3A_398 : vector<8x1xi32>
    %sign3A_400 = arith.constant 0 : i32
    %sign3A_401 = vector.broadcast %sign3A_400 : i32 to vector<8x1xi32>
    %sign3A_402 = arith.cmpi sgt, %add3A_396, %sign3A_401 : vector<8x1xi32>
    %sign3A_403 = arith.extui %sign3A_402 : vector<8x1xi1> to vector<8x1xi32>
    %sign3A_404 = arith.constant 0 : i32
    %sign3A_405 = vector.broadcast %sign3A_404 : i32 to vector<8x1xi32>
    %sign3A_406 = arith.cmpi slt, %add3A_396, %sign3A_405 : vector<8x1xi32>
    %sign3A_407 = arith.extui %sign3A_406 : vector<8x1xi1> to vector<8x1xi32>
    %sign3A_408 = arith.subi %sign3A_403, %sign3A_407 : vector<8x1xi32>
    %sign3A_409 = arith.constant 0 : i32
    %sign3A_410 = arith.cmpi sgt, %jit3A_397, %sign3A_409 : i32
    %sign3A_411 = arith.extui %sign3A_410 : i1 to i32
    %sign3A_412 = arith.constant 0 : i32
    %sign3A_413 = arith.cmpi slt, %jit3A_397, %sign3A_412 : i32
    %sign3A_414 = arith.extui %sign3A_413 : i1 to i32
    %sign3A_415 = arith.subi %sign3A_411, %sign3A_414 : i32
    %ne3A_416 = vector.broadcast %sign3A_415 : i32 to vector<8x1xi32>
    %ne3A_417 = arith.cmpi ne, %sign3A_408, %ne3A_416 : vector<8x1xi32>
    %rem3A_418 = vector.broadcast %jit3A_397 : i32 to vector<8x1xi32>
    %rem3A_419 = arith.remsi %add3A_396, %rem3A_418 : vector<8x1xi32>
    %ne3A_420 = arith.constant 0 : i32
    %ne3A_421 = vector.broadcast %ne3A_420 : i32 to vector<8x1xi32>
    %ne3A_422 = arith.cmpi ne, %rem3A_419, %ne3A_421 : vector<8x1xi32>
    %and3A_423 = arith.andi %ne3A_417, %ne3A_422 : vector<8x1xi1>
    %sub3A_424 = arith.constant 1 : i32
    %sub3A_425 = vector.broadcast %sub3A_424 : i32 to vector<8x1xi32>
    %sub3A_426 = arith.subi %div3A_399, %sub3A_425 : vector<8x1xi32>
    %select_n3A_427 = arith.select %and3A_423, %sub3A_426, %div3A_399 : vector<8x1xi1>, vector<8x1xi32>
    %broadcast_in_dim3A_428 = vector.shape_cast %select_n3A_427 : vector<8x1xi32> to vector<8x1x1xi32>
    %le3A_429 = vector.broadcast %broadcast_in_dim3A_428 : vector<8x1x1xi32> to vector<8x512x128xi32>
    %le3A_430 = arith.cmpi sle, %add3A, %le3A_429 : vector<8x512x128xi32>
    %jit3A_431 = arith.constant 0.000000e+00 : f32
    %broadcast_in_dim3A_432 = vector.broadcast %jit3A_431 : f32 to vector<8x512x128xf32>
    %select_n3A_433 = arith.select %le3A_430, %get3A_2, %broadcast_in_dim3A_432 : vector<8x512x128xi1>, vector<8x512x128xf32>
    %reduce_sum3A_434 = arith.constant dense<0.000000e+00> : vector<8xf32>
    %reduce_sum3A_435 = vector.multi_reduction <add>, %select_n3A_433, %reduce_sum3A_434 [1, 2] : vector<8x512x128xf32> to vector<8xf32>
    %reshape3A_436 = vector.shape_cast %reduce_sum3A_435 : vector<8xf32> to vector<8x1xf32>
    %ge3A_437 = arith.cmpf oge, %reshape3A_436, %slice3A : vector<8x1xf32>
    %select_n3A_438 = arith.select %ge3A_437, %select_n3A_427, %select_n3A_394 : vector<8x1xi1>, vector<8x1xi32>
    %select_n3A_439 = arith.select %ge3A_437, %select_n3A_395, %select_n3A_427 : vector<8x1xi1>, vector<8x1xi32>
    %add3A_440 = arith.addi %select_n3A_439, %select_n3A_438 : vector<8x1xi32>
    %jit3A_441 = arith.constant 2 : i32
    %div3A_442 = vector.broadcast %jit3A_441 : i32 to vector<8x1xi32>
    %div3A_443 = arith.divsi %add3A_440, %div3A_442 : vector<8x1xi32>
    %sign3A_444 = arith.constant 0 : i32
    %sign3A_445 = vector.broadcast %sign3A_444 : i32 to vector<8x1xi32>
    %sign3A_446 = arith.cmpi sgt, %add3A_440, %sign3A_445 : vector<8x1xi32>
    %sign3A_447 = arith.extui %sign3A_446 : vector<8x1xi1> to vector<8x1xi32>
    %sign3A_448 = arith.constant 0 : i32
    %sign3A_449 = vector.broadcast %sign3A_448 : i32 to vector<8x1xi32>
    %sign3A_450 = arith.cmpi slt, %add3A_440, %sign3A_449 : vector<8x1xi32>
    %sign3A_451 = arith.extui %sign3A_450 : vector<8x1xi1> to vector<8x1xi32>
    %sign3A_452 = arith.subi %sign3A_447, %sign3A_451 : vector<8x1xi32>
    %sign3A_453 = arith.constant 0 : i32
    %sign3A_454 = arith.cmpi sgt, %jit3A_441, %sign3A_453 : i32
    %sign3A_455 = arith.extui %sign3A_454 : i1 to i32
    %sign3A_456 = arith.constant 0 : i32
    %sign3A_457 = arith.cmpi slt, %jit3A_441, %sign3A_456 : i32
    %sign3A_458 = arith.extui %sign3A_457 : i1 to i32
    %sign3A_459 = arith.subi %sign3A_455, %sign3A_458 : i32
    %ne3A_460 = vector.broadcast %sign3A_459 : i32 to vector<8x1xi32>
    %ne3A_461 = arith.cmpi ne, %sign3A_452, %ne3A_460 : vector<8x1xi32>
    %rem3A_462 = vector.broadcast %jit3A_441 : i32 to vector<8x1xi32>
    %rem3A_463 = arith.remsi %add3A_440, %rem3A_462 : vector<8x1xi32>
    %ne3A_464 = arith.constant 0 : i32
    %ne3A_465 = vector.broadcast %ne3A_464 : i32 to vector<8x1xi32>
    %ne3A_466 = arith.cmpi ne, %rem3A_463, %ne3A_465 : vector<8x1xi32>
    %and3A_467 = arith.andi %ne3A_461, %ne3A_466 : vector<8x1xi1>
    %sub3A_468 = arith.constant 1 : i32
    %sub3A_469 = vector.broadcast %sub3A_468 : i32 to vector<8x1xi32>
    %sub3A_470 = arith.subi %div3A_443, %sub3A_469 : vector<8x1xi32>
    %select_n3A_471 = arith.select %and3A_467, %sub3A_470, %div3A_443 : vector<8x1xi1>, vector<8x1xi32>
    %broadcast_in_dim3A_472 = vector.shape_cast %select_n3A_471 : vector<8x1xi32> to vector<8x1x1xi32>
    %le3A_473 = vector.broadcast %broadcast_in_dim3A_472 : vector<8x1x1xi32> to vector<8x512x128xi32>
    %le3A_474 = arith.cmpi sle, %add3A, %le3A_473 : vector<8x512x128xi32>
    %jit3A_475 = arith.constant 0.000000e+00 : f32
    %broadcast_in_dim3A_476 = vector.broadcast %jit3A_475 : f32 to vector<8x512x128xf32>
    %select_n3A_477 = arith.select %le3A_474, %get3A_2, %broadcast_in_dim3A_476 : vector<8x512x128xi1>, vector<8x512x128xf32>
    %reduce_sum3A_478 = arith.constant dense<0.000000e+00> : vector<8xf32>
    %reduce_sum3A_479 = vector.multi_reduction <add>, %select_n3A_477, %reduce_sum3A_478 [1, 2] : vector<8x512x128xf32> to vector<8xf32>
    %reshape3A_480 = vector.shape_cast %reduce_sum3A_479 : vector<8xf32> to vector<8x1xf32>
    %ge3A_481 = arith.cmpf oge, %reshape3A_480, %slice3A : vector<8x1xf32>
    %select_n3A_482 = arith.select %ge3A_481, %select_n3A_471, %select_n3A_438 : vector<8x1xi1>, vector<8x1xi32>
    %select_n3A_483 = arith.select %ge3A_481, %select_n3A_439, %select_n3A_471 : vector<8x1xi1>, vector<8x1xi32>
    %add3A_484 = arith.addi %select_n3A_483, %select_n3A_482 : vector<8x1xi32>
    %jit3A_485 = arith.constant 2 : i32
    %div3A_486 = vector.broadcast %jit3A_485 : i32 to vector<8x1xi32>
    %div3A_487 = arith.divsi %add3A_484, %div3A_486 : vector<8x1xi32>
    %sign3A_488 = arith.constant 0 : i32
    %sign3A_489 = vector.broadcast %sign3A_488 : i32 to vector<8x1xi32>
    %sign3A_490 = arith.cmpi sgt, %add3A_484, %sign3A_489 : vector<8x1xi32>
    %sign3A_491 = arith.extui %sign3A_490 : vector<8x1xi1> to vector<8x1xi32>
    %sign3A_492 = arith.constant 0 : i32
    %sign3A_493 = vector.broadcast %sign3A_492 : i32 to vector<8x1xi32>
    %sign3A_494 = arith.cmpi slt, %add3A_484, %sign3A_493 : vector<8x1xi32>
    %sign3A_495 = arith.extui %sign3A_494 : vector<8x1xi1> to vector<8x1xi32>
    %sign3A_496 = arith.subi %sign3A_491, %sign3A_495 : vector<8x1xi32>
    %sign3A_497 = arith.constant 0 : i32
    %sign3A_498 = arith.cmpi sgt, %jit3A_485, %sign3A_497 : i32
    %sign3A_499 = arith.extui %sign3A_498 : i1 to i32
    %sign3A_500 = arith.constant 0 : i32
    %sign3A_501 = arith.cmpi slt, %jit3A_485, %sign3A_500 : i32
    %sign3A_502 = arith.extui %sign3A_501 : i1 to i32
    %sign3A_503 = arith.subi %sign3A_499, %sign3A_502 : i32
    %ne3A_504 = vector.broadcast %sign3A_503 : i32 to vector<8x1xi32>
    %ne3A_505 = arith.cmpi ne, %sign3A_496, %ne3A_504 : vector<8x1xi32>
    %rem3A_506 = vector.broadcast %jit3A_485 : i32 to vector<8x1xi32>
    %rem3A_507 = arith.remsi %add3A_484, %rem3A_506 : vector<8x1xi32>
    %ne3A_508 = arith.constant 0 : i32
    %ne3A_509 = vector.broadcast %ne3A_508 : i32 to vector<8x1xi32>
    %ne3A_510 = arith.cmpi ne, %rem3A_507, %ne3A_509 : vector<8x1xi32>
    %and3A_511 = arith.andi %ne3A_505, %ne3A_510 : vector<8x1xi1>
    %sub3A_512 = arith.constant 1 : i32
    %sub3A_513 = vector.broadcast %sub3A_512 : i32 to vector<8x1xi32>
    %sub3A_514 = arith.subi %div3A_487, %sub3A_513 : vector<8x1xi32>
    %select_n3A_515 = arith.select %and3A_511, %sub3A_514, %div3A_487 : vector<8x1xi1>, vector<8x1xi32>
    %broadcast_in_dim3A_516 = vector.shape_cast %select_n3A_515 : vector<8x1xi32> to vector<8x1x1xi32>
    %le3A_517 = vector.broadcast %broadcast_in_dim3A_516 : vector<8x1x1xi32> to vector<8x512x128xi32>
    %le3A_518 = arith.cmpi sle, %add3A, %le3A_517 : vector<8x512x128xi32>
    %jit3A_519 = arith.constant 0.000000e+00 : f32
    %broadcast_in_dim3A_520 = vector.broadcast %jit3A_519 : f32 to vector<8x512x128xf32>
    %select_n3A_521 = arith.select %le3A_518, %get3A_2, %broadcast_in_dim3A_520 : vector<8x512x128xi1>, vector<8x512x128xf32>
    %reduce_sum3A_522 = arith.constant dense<0.000000e+00> : vector<8xf32>
    %reduce_sum3A_523 = vector.multi_reduction <add>, %select_n3A_521, %reduce_sum3A_522 [1, 2] : vector<8x512x128xf32> to vector<8xf32>
    %reshape3A_524 = vector.shape_cast %reduce_sum3A_523 : vector<8xf32> to vector<8x1xf32>
    %ge3A_525 = arith.cmpf oge, %reshape3A_524, %slice3A : vector<8x1xf32>
    %select_n3A_526 = arith.select %ge3A_525, %select_n3A_515, %select_n3A_482 : vector<8x1xi1>, vector<8x1xi32>
    %select_n3A_527 = arith.select %ge3A_525, %select_n3A_483, %select_n3A_515 : vector<8x1xi1>, vector<8x1xi32>
    %add3A_528 = arith.addi %select_n3A_527, %select_n3A_526 : vector<8x1xi32>
    %jit3A_529 = arith.constant 2 : i32
    %div3A_530 = vector.broadcast %jit3A_529 : i32 to vector<8x1xi32>
    %div3A_531 = arith.divsi %add3A_528, %div3A_530 : vector<8x1xi32>
    %sign3A_532 = arith.constant 0 : i32
    %sign3A_533 = vector.broadcast %sign3A_532 : i32 to vector<8x1xi32>
    %sign3A_534 = arith.cmpi sgt, %add3A_528, %sign3A_533 : vector<8x1xi32>
    %sign3A_535 = arith.extui %sign3A_534 : vector<8x1xi1> to vector<8x1xi32>
    %sign3A_536 = arith.constant 0 : i32
    %sign3A_537 = vector.broadcast %sign3A_536 : i32 to vector<8x1xi32>
    %sign3A_538 = arith.cmpi slt, %add3A_528, %sign3A_537 : vector<8x1xi32>
    %sign3A_539 = arith.extui %sign3A_538 : vector<8x1xi1> to vector<8x1xi32>
    %sign3A_540 = arith.subi %sign3A_535, %sign3A_539 : vector<8x1xi32>
    %sign3A_541 = arith.constant 0 : i32
    %sign3A_542 = arith.cmpi sgt, %jit3A_529, %sign3A_541 : i32
    %sign3A_543 = arith.extui %sign3A_542 : i1 to i32
    %sign3A_544 = arith.constant 0 : i32
    %sign3A_545 = arith.cmpi slt, %jit3A_529, %sign3A_544 : i32
    %sign3A_546 = arith.extui %sign3A_545 : i1 to i32
    %sign3A_547 = arith.subi %sign3A_543, %sign3A_546 : i32
    %ne3A_548 = vector.broadcast %sign3A_547 : i32 to vector<8x1xi32>
    %ne3A_549 = arith.cmpi ne, %sign3A_540, %ne3A_548 : vector<8x1xi32>
    %rem3A_550 = vector.broadcast %jit3A_529 : i32 to vector<8x1xi32>
    %rem3A_551 = arith.remsi %add3A_528, %rem3A_550 : vector<8x1xi32>
    %ne3A_552 = arith.constant 0 : i32
    %ne3A_553 = vector.broadcast %ne3A_552 : i32 to vector<8x1xi32>
    %ne3A_554 = arith.cmpi ne, %rem3A_551, %ne3A_553 : vector<8x1xi32>
    %and3A_555 = arith.andi %ne3A_549, %ne3A_554 : vector<8x1xi1>
    %sub3A_556 = arith.constant 1 : i32
    %sub3A_557 = vector.broadcast %sub3A_556 : i32 to vector<8x1xi32>
    %sub3A_558 = arith.subi %div3A_531, %sub3A_557 : vector<8x1xi32>
    %select_n3A_559 = arith.select %and3A_555, %sub3A_558, %div3A_531 : vector<8x1xi1>, vector<8x1xi32>
    %broadcast_in_dim3A_560 = vector.shape_cast %select_n3A_559 : vector<8x1xi32> to vector<8x1x1xi32>
    %le3A_561 = vector.broadcast %broadcast_in_dim3A_560 : vector<8x1x1xi32> to vector<8x512x128xi32>
    %le3A_562 = arith.cmpi sle, %add3A, %le3A_561 : vector<8x512x128xi32>
    %jit3A_563 = arith.constant 0.000000e+00 : f32
    %broadcast_in_dim3A_564 = vector.broadcast %jit3A_563 : f32 to vector<8x512x128xf32>
    %select_n3A_565 = arith.select %le3A_562, %get3A_2, %broadcast_in_dim3A_564 : vector<8x512x128xi1>, vector<8x512x128xf32>
    %reduce_sum3A_566 = arith.constant dense<0.000000e+00> : vector<8xf32>
    %reduce_sum3A_567 = vector.multi_reduction <add>, %select_n3A_565, %reduce_sum3A_566 [1, 2] : vector<8x512x128xf32> to vector<8xf32>
    %reshape3A_568 = vector.shape_cast %reduce_sum3A_567 : vector<8xf32> to vector<8x1xf32>
    %ge3A_569 = arith.cmpf oge, %reshape3A_568, %slice3A : vector<8x1xf32>
    %select_n3A_570 = arith.select %ge3A_569, %select_n3A_559, %select_n3A_526 : vector<8x1xi1>, vector<8x1xi32>
    %select_n3A_571 = arith.select %ge3A_569, %select_n3A_527, %select_n3A_559 : vector<8x1xi1>, vector<8x1xi32>
    %add3A_572 = arith.addi %select_n3A_571, %select_n3A_570 : vector<8x1xi32>
    %jit3A_573 = arith.constant 2 : i32
    %div3A_574 = vector.broadcast %jit3A_573 : i32 to vector<8x1xi32>
    %div3A_575 = arith.divsi %add3A_572, %div3A_574 : vector<8x1xi32>
    %sign3A_576 = arith.constant 0 : i32
    %sign3A_577 = vector.broadcast %sign3A_576 : i32 to vector<8x1xi32>
    %sign3A_578 = arith.cmpi sgt, %add3A_572, %sign3A_577 : vector<8x1xi32>
    %sign3A_579 = arith.extui %sign3A_578 : vector<8x1xi1> to vector<8x1xi32>
    %sign3A_580 = arith.constant 0 : i32
    %sign3A_581 = vector.broadcast %sign3A_580 : i32 to vector<8x1xi32>
    %sign3A_582 = arith.cmpi slt, %add3A_572, %sign3A_581 : vector<8x1xi32>
    %sign3A_583 = arith.extui %sign3A_582 : vector<8x1xi1> to vector<8x1xi32>
    %sign3A_584 = arith.subi %sign3A_579, %sign3A_583 : vector<8x1xi32>
    %sign3A_585 = arith.constant 0 : i32
    %sign3A_586 = arith.cmpi sgt, %jit3A_573, %sign3A_585 : i32
    %sign3A_587 = arith.extui %sign3A_586 : i1 to i32
    %sign3A_588 = arith.constant 0 : i32
    %sign3A_589 = arith.cmpi slt, %jit3A_573, %sign3A_588 : i32
    %sign3A_590 = arith.extui %sign3A_589 : i1 to i32
    %sign3A_591 = arith.subi %sign3A_587, %sign3A_590 : i32
    %ne3A_592 = vector.broadcast %sign3A_591 : i32 to vector<8x1xi32>
    %ne3A_593 = arith.cmpi ne, %sign3A_584, %ne3A_592 : vector<8x1xi32>
    %rem3A_594 = vector.broadcast %jit3A_573 : i32 to vector<8x1xi32>
    %rem3A_595 = arith.remsi %add3A_572, %rem3A_594 : vector<8x1xi32>
    %ne3A_596 = arith.constant 0 : i32
    %ne3A_597 = vector.broadcast %ne3A_596 : i32 to vector<8x1xi32>
    %ne3A_598 = arith.cmpi ne, %rem3A_595, %ne3A_597 : vector<8x1xi32>
    %and3A_599 = arith.andi %ne3A_593, %ne3A_598 : vector<8x1xi1>
    %sub3A_600 = arith.constant 1 : i32
    %sub3A_601 = vector.broadcast %sub3A_600 : i32 to vector<8x1xi32>
    %sub3A_602 = arith.subi %div3A_575, %sub3A_601 : vector<8x1xi32>
    %select_n3A_603 = arith.select %and3A_599, %sub3A_602, %div3A_575 : vector<8x1xi1>, vector<8x1xi32>
    %broadcast_in_dim3A_604 = vector.shape_cast %select_n3A_603 : vector<8x1xi32> to vector<8x1x1xi32>
    %le3A_605 = vector.broadcast %broadcast_in_dim3A_604 : vector<8x1x1xi32> to vector<8x512x128xi32>
    %le3A_606 = arith.cmpi sle, %add3A, %le3A_605 : vector<8x512x128xi32>
    %jit3A_607 = arith.constant 0.000000e+00 : f32
    %broadcast_in_dim3A_608 = vector.broadcast %jit3A_607 : f32 to vector<8x512x128xf32>
    %select_n3A_609 = arith.select %le3A_606, %get3A_2, %broadcast_in_dim3A_608 : vector<8x512x128xi1>, vector<8x512x128xf32>
    %reduce_sum3A_610 = arith.constant dense<0.000000e+00> : vector<8xf32>
    %reduce_sum3A_611 = vector.multi_reduction <add>, %select_n3A_609, %reduce_sum3A_610 [1, 2] : vector<8x512x128xf32> to vector<8xf32>
    %reshape3A_612 = vector.shape_cast %reduce_sum3A_611 : vector<8xf32> to vector<8x1xf32>
    %ge3A_613 = arith.cmpf oge, %reshape3A_612, %slice3A : vector<8x1xf32>
    %select_n3A_614 = arith.select %ge3A_613, %select_n3A_603, %select_n3A_570 : vector<8x1xi1>, vector<8x1xi32>
    %select_n3A_615 = arith.select %ge3A_613, %select_n3A_571, %select_n3A_603 : vector<8x1xi1>, vector<8x1xi32>
    %add3A_616 = arith.addi %select_n3A_615, %select_n3A_614 : vector<8x1xi32>
    %jit3A_617 = arith.constant 2 : i32
    %div3A_618 = vector.broadcast %jit3A_617 : i32 to vector<8x1xi32>
    %div3A_619 = arith.divsi %add3A_616, %div3A_618 : vector<8x1xi32>
    %sign3A_620 = arith.constant 0 : i32
    %sign3A_621 = vector.broadcast %sign3A_620 : i32 to vector<8x1xi32>
    %sign3A_622 = arith.cmpi sgt, %add3A_616, %sign3A_621 : vector<8x1xi32>
    %sign3A_623 = arith.extui %sign3A_622 : vector<8x1xi1> to vector<8x1xi32>
    %sign3A_624 = arith.constant 0 : i32
    %sign3A_625 = vector.broadcast %sign3A_624 : i32 to vector<8x1xi32>
    %sign3A_626 = arith.cmpi slt, %add3A_616, %sign3A_625 : vector<8x1xi32>
    %sign3A_627 = arith.extui %sign3A_626 : vector<8x1xi1> to vector<8x1xi32>
    %sign3A_628 = arith.subi %sign3A_623, %sign3A_627 : vector<8x1xi32>
    %sign3A_629 = arith.constant 0 : i32
    %sign3A_630 = arith.cmpi sgt, %jit3A_617, %sign3A_629 : i32
    %sign3A_631 = arith.extui %sign3A_630 : i1 to i32
    %sign3A_632 = arith.constant 0 : i32
    %sign3A_633 = arith.cmpi slt, %jit3A_617, %sign3A_632 : i32
    %sign3A_634 = arith.extui %sign3A_633 : i1 to i32
    %sign3A_635 = arith.subi %sign3A_631, %sign3A_634 : i32
    %ne3A_636 = vector.broadcast %sign3A_635 : i32 to vector<8x1xi32>
    %ne3A_637 = arith.cmpi ne, %sign3A_628, %ne3A_636 : vector<8x1xi32>
    %rem3A_638 = vector.broadcast %jit3A_617 : i32 to vector<8x1xi32>
    %rem3A_639 = arith.remsi %add3A_616, %rem3A_638 : vector<8x1xi32>
    %ne3A_640 = arith.constant 0 : i32
    %ne3A_641 = vector.broadcast %ne3A_640 : i32 to vector<8x1xi32>
    %ne3A_642 = arith.cmpi ne, %rem3A_639, %ne3A_641 : vector<8x1xi32>
    %and3A_643 = arith.andi %ne3A_637, %ne3A_642 : vector<8x1xi1>
    %sub3A_644 = arith.constant 1 : i32
    %sub3A_645 = vector.broadcast %sub3A_644 : i32 to vector<8x1xi32>
    %sub3A_646 = arith.subi %div3A_619, %sub3A_645 : vector<8x1xi32>
    %select_n3A_647 = arith.select %and3A_643, %sub3A_646, %div3A_619 : vector<8x1xi1>, vector<8x1xi32>
    %broadcast_in_dim3A_648 = vector.shape_cast %select_n3A_647 : vector<8x1xi32> to vector<8x1x1xi32>
    %le3A_649 = vector.broadcast %broadcast_in_dim3A_648 : vector<8x1x1xi32> to vector<8x512x128xi32>
    %le3A_650 = arith.cmpi sle, %add3A, %le3A_649 : vector<8x512x128xi32>
    %jit3A_651 = arith.constant 0.000000e+00 : f32
    %broadcast_in_dim3A_652 = vector.broadcast %jit3A_651 : f32 to vector<8x512x128xf32>
    %select_n3A_653 = arith.select %le3A_650, %get3A_2, %broadcast_in_dim3A_652 : vector<8x512x128xi1>, vector<8x512x128xf32>
    %reduce_sum3A_654 = arith.constant dense<0.000000e+00> : vector<8xf32>
    %reduce_sum3A_655 = vector.multi_reduction <add>, %select_n3A_653, %reduce_sum3A_654 [1, 2] : vector<8x512x128xf32> to vector<8xf32>
    %reshape3A_656 = vector.shape_cast %reduce_sum3A_655 : vector<8xf32> to vector<8x1xf32>
    %ge3A_657 = arith.cmpf oge, %reshape3A_656, %slice3A : vector<8x1xf32>
    %select_n3A_658 = arith.select %ge3A_657, %select_n3A_647, %select_n3A_614 : vector<8x1xi1>, vector<8x1xi32>
    %select_n3A_659 = arith.select %ge3A_657, %select_n3A_615, %select_n3A_647 : vector<8x1xi1>, vector<8x1xi32>
    %add3A_660 = arith.addi %select_n3A_659, %select_n3A_658 : vector<8x1xi32>
    %jit3A_661 = arith.constant 2 : i32
    %div3A_662 = vector.broadcast %jit3A_661 : i32 to vector<8x1xi32>
    %div3A_663 = arith.divsi %add3A_660, %div3A_662 : vector<8x1xi32>
    %sign3A_664 = arith.constant 0 : i32
    %sign3A_665 = vector.broadcast %sign3A_664 : i32 to vector<8x1xi32>
    %sign3A_666 = arith.cmpi sgt, %add3A_660, %sign3A_665 : vector<8x1xi32>
    %sign3A_667 = arith.extui %sign3A_666 : vector<8x1xi1> to vector<8x1xi32>
    %sign3A_668 = arith.constant 0 : i32
    %sign3A_669 = vector.broadcast %sign3A_668 : i32 to vector<8x1xi32>
    %sign3A_670 = arith.cmpi slt, %add3A_660, %sign3A_669 : vector<8x1xi32>
    %sign3A_671 = arith.extui %sign3A_670 : vector<8x1xi1> to vector<8x1xi32>
    %sign3A_672 = arith.subi %sign3A_667, %sign3A_671 : vector<8x1xi32>
    %sign3A_673 = arith.constant 0 : i32
    %sign3A_674 = arith.cmpi sgt, %jit3A_661, %sign3A_673 : i32
    %sign3A_675 = arith.extui %sign3A_674 : i1 to i32
    %sign3A_676 = arith.constant 0 : i32
    %sign3A_677 = arith.cmpi slt, %jit3A_661, %sign3A_676 : i32
    %sign3A_678 = arith.extui %sign3A_677 : i1 to i32
    %sign3A_679 = arith.subi %sign3A_675, %sign3A_678 : i32
    %ne3A_680 = vector.broadcast %sign3A_679 : i32 to vector<8x1xi32>
    %ne3A_681 = arith.cmpi ne, %sign3A_672, %ne3A_680 : vector<8x1xi32>
    %rem3A_682 = vector.broadcast %jit3A_661 : i32 to vector<8x1xi32>
    %rem3A_683 = arith.remsi %add3A_660, %rem3A_682 : vector<8x1xi32>
    %ne3A_684 = arith.constant 0 : i32
    %ne3A_685 = vector.broadcast %ne3A_684 : i32 to vector<8x1xi32>
    %ne3A_686 = arith.cmpi ne, %rem3A_683, %ne3A_685 : vector<8x1xi32>
    %and3A_687 = arith.andi %ne3A_681, %ne3A_686 : vector<8x1xi1>
    %sub3A_688 = arith.constant 1 : i32
    %sub3A_689 = vector.broadcast %sub3A_688 : i32 to vector<8x1xi32>
    %sub3A_690 = arith.subi %div3A_663, %sub3A_689 : vector<8x1xi32>
    %select_n3A_691 = arith.select %and3A_687, %sub3A_690, %div3A_663 : vector<8x1xi1>, vector<8x1xi32>
    %broadcast_in_dim3A_692 = vector.shape_cast %select_n3A_691 : vector<8x1xi32> to vector<8x1x1xi32>
    %le3A_693 = vector.broadcast %broadcast_in_dim3A_692 : vector<8x1x1xi32> to vector<8x512x128xi32>
    %le3A_694 = arith.cmpi sle, %add3A, %le3A_693 : vector<8x512x128xi32>
    %jit3A_695 = arith.constant 0.000000e+00 : f32
    %broadcast_in_dim3A_696 = vector.broadcast %jit3A_695 : f32 to vector<8x512x128xf32>
    %select_n3A_697 = arith.select %le3A_694, %get3A_2, %broadcast_in_dim3A_696 : vector<8x512x128xi1>, vector<8x512x128xf32>
    %reduce_sum3A_698 = arith.constant dense<0.000000e+00> : vector<8xf32>
    %reduce_sum3A_699 = vector.multi_reduction <add>, %select_n3A_697, %reduce_sum3A_698 [1, 2] : vector<8x512x128xf32> to vector<8xf32>
    %reshape3A_700 = vector.shape_cast %reduce_sum3A_699 : vector<8xf32> to vector<8x1xf32>
    %ge3A_701 = arith.cmpf oge, %reshape3A_700, %slice3A : vector<8x1xf32>
    %select_n3A_702 = arith.select %ge3A_701, %select_n3A_691, %select_n3A_658 : vector<8x1xi1>, vector<8x1xi32>
    %get3A_703 = arith.constant 0 : index
    %get3A_704 = arith.constant 0 : index
    %get3A_705 = vector.load %arg2[%get3A_703, %get3A_704] : memref<8x128xi32, #tpu.memory_space<vmem>>, vector<8x128xi32>
    %slice3A_706 = vector.extract_strided_slice %get3A_705 {offsets = [0, 0], sizes = [8, 1], strides = [1, 1]} : vector<8x128xi32> to vector<8x1xi32>
    %shift_left3A = arith.constant 16 : i32
    %shift_left3A_707 = vector.broadcast %shift_left3A : i32 to vector<8x1xi32>
    %shift_left3A_708 = arith.shli %slice3A_706, %shift_left3A_707 : vector<8x1xi32>
    %or3A = arith.ori %shift_left3A_708, %select_n3A_702 : vector<8x1xi32>
    %lt3A = arith.constant 0 : i32
    %lt3A_709 = vector.broadcast %lt3A : i32 to vector<8x1xi32>
    %lt3A_710 = arith.cmpi slt, %or3A, %lt3A_709 : vector<8x1xi32>
    %xor3A = arith.constant -2147483648 : i32
    %xor3A_711 = vector.broadcast %xor3A : i32 to vector<8x1xi32>
    %xor3A_712 = arith.xori %or3A, %xor3A_711 : vector<8x1xi32>
    %not3A = arith.constant dense<-1> : vector<8x1xi32>
    %not3A_713 = arith.xori %or3A, %not3A : vector<8x1xi32>
    %select_n3A_714 = arith.select %lt3A_710, %xor3A_712, %not3A_713 : vector<8x1xi1>, vector<8x1xi32>
    %bitcast_convert_type3A = tpu.bitcast %select_n3A_714 : vector<8x1xi32> -> vector<8x1xf32>
    %broadcast_in_dim3A_715 = vector.shape_cast %select_n3A_702 : vector<8x1xi32> to vector<8x1xi32>
    %broadcast_in_dim3A_716 = vector.broadcast %broadcast_in_dim3A_715 : vector<8x1xi32> to vector<8x128xi32>
    %swap3A = arith.constant 0 : index
    %swap3A_717 = arith.constant 0 : index
    %swap3A_718 = vector.load %arg3[%swap3A, %swap3A_717] : memref<8x128xi32, #tpu.memory_space<vmem>>, vector<8x128xi32>
    tpu.vector_store %arg3[%swap3A, %swap3A_717], %broadcast_in_dim3A_716 {strides = array<i32>} : memref<8x128xi32, #tpu.memory_space<vmem>>, vector<8x128xi32>,
    %broadcast_in_dim3A_719 = vector.shape_cast %bitcast_convert_type3A : vector<8x1xf32> to vector<8x1xf32>
    %broadcast_in_dim3A_720 = vector.broadcast %broadcast_in_dim3A_719 : vector<8x1xf32> to vector<8x128xf32>
    %swap3A_721 = arith.constant 0 : index
    %swap3A_722 = arith.constant 0 : index
    %swap3A_723 = vector.load %arg4[%swap3A_721, %swap3A_722] : memref<8x128xf32, #tpu.memory_space<vmem>>, vector<8x128xf32>
    tpu.vector_store %arg4[%swap3A_721, %swap3A_722], %broadcast_in_dim3A_720 {strides = array<i32>} : memref<8x128xf32, #tpu.memory_space<vmem>>, vector<8x128xf32>,
    return
  }
}

module attributes {stable_mosaic.version = 14 : i64} {
  func.func @_mask_body(%arg0: i32, %arg1: i32, %arg2: memref<8x128xf32, #tpu.memory_space<vmem>>, %arg3: memref<1x8x50176xf32, #tpu.memory_space<vmem>>, %arg4: memref<1x8x50176xf32, #tpu.memory_space<vmem>>) attributes {dimension_semantics = [#tpu.dimension_semantics<arbitrary>, #tpu.dimension_semantics<arbitrary>], iteration_bounds = array<i64: 8, 12>, scalar_prefetch = 0 : i64, scratch_operands = 0 : i64, tpu.core_type = #tpu.core_type<tc>, window_params = [{pipeline_mode = #tpu.pipeline_mode<synchronous>, transform_indices = @transform_0, window_bounds = array<i64: 8, 128>}, {transform_indices = @transform_1, window_bounds = array<i64: 1, 8, 50176>}, {transform_indices = @transform_2, window_bounds = array<i64: 1, 8, 50176>}]} {
    %get3A = arith.index_cast %arg0 : i32 to index
    %get3A_0 = arith.constant 0 : index
    %get3A_1 = vector.load %arg2[%get3A, %get3A_0] : memref<8x128xf32, #tpu.memory_space<vmem>>, vector<1x1xf32>
    %get3A_2 = vector.extract %get3A_1[0, 0] : f32 from vector<1x1xf32>
    %div3A = arith.constant 9.600000e+01 : f32
    %div3A_3 = arith.divf %get3A_2, %div3A : f32
    %get3A_4 = arith.constant 0 : index
    %get3A_5 = arith.constant 0 : index
    %get3A_6 = arith.constant 0 : index
    %get3A_7 = vector.load %arg3[%get3A_4, %get3A_5, %get3A_6] : memref<1x8x50176xf32, #tpu.memory_space<vmem>>, vector<1x8x50176xf32>
    %div3A_8 = arith.constant 9.600000e+01 : f32
    %div3A_9 = vector.broadcast %div3A_8 : f32 to vector<1x8x50176xf32>
    %div3A_10 = arith.divf %get3A_7, %div3A_9 : vector<1x8x50176xf32>
    %ge3A = vector.broadcast %div3A_3 : f32 to vector<1x8x50176xf32>
    %ge3A_11 = arith.cmpf oge, %div3A_10, %ge3A : vector<1x8x50176xf32>
    %jit3A = arith.constant 1.000000e+00 : f32
    %jit3A_12 = arith.constant 0.000000e+00 : f32
    %broadcast_in_dim3A = vector.broadcast %jit3A : f32 to vector<1x8x50176xf32>
    %broadcast_in_dim3A_13 = vector.broadcast %jit3A_12 : f32 to vector<1x8x50176xf32>
    %select_n3A = arith.select %ge3A_11, %broadcast_in_dim3A, %broadcast_in_dim3A_13 : vector<1x8x50176xi1>, vector<1x8x50176xf32>
    %swap3A = arith.constant 0 : index
    %swap3A_14 = arith.constant 0 : index
    %swap3A_15 = arith.constant 0 : index
    %swap3A_16 = vector.load %arg4[%swap3A, %swap3A_14, %swap3A_15] : memref<1x8x50176xf32, #tpu.memory_space<vmem>>, vector<1x8x50176xf32>
    tpu.vector_store %arg4[%swap3A, %swap3A_14, %swap3A_15], %select_n3A {strides = array<i32>} : memref<1x8x50176xf32, #tpu.memory_space<vmem>>, vector<1x8x50176xf32>,
    return
  }
  func.func @transform_0(%arg0: i32, %arg1: i32) -> (i32, i32) {
    %c0_i32 = arith.constant 0 : i32
    %c0_i32_0 = arith.constant 0 : i32
    %c0_i32_1 = arith.constant 0 : i32
    return %c0_i32, %c0_i32_0 : i32, i32
  }
  func.func @transform_1(%arg0: i32, %arg1: i32) -> (i32, i32, i32) {
    %c0_i32 = arith.constant 0 : i32
    %c0_i32_0 = arith.constant 0 : i32
    return %arg0, %arg1, %c0_i32 : i32, i32, i32
  }
  func.func @transform_2(%arg0: i32, %arg1: i32) -> (i32, i32, i32) {
    %c0_i32 = arith.constant 0 : i32
    %c0_i32_0 = arith.constant 0 : i32
    return %arg0, %arg1, %c0_i32 : i32, i32, i32
  }
}

</mosaic_0001>

<sc_bundles>
// kernel: kernel.10.cloned.1.call-start
scs
__scs_entry_jumppad:
0x0: {  	(pc) =	sbr.rel $0x88, $3  }
0x1: {  	(tag) =	ssettag $0x0;
	lr =	simm.s32 $0x1  }
0x2: {  	[smem:$0x3FA0] =	sst lr;
	_ =	strace $0xD0000000  }
0x3: {  	_ = 	snop  }
0x4: {  	_ = 	snop  }
0x5: {  	_ = 	snop  }
0x6: {  	_ = 	snop  }
0x7: {  	_ = 	snop  }
__scs_overlays_trampoline_lowered:
0x8: {  	[smem:$0x3FAF] =	sst s0  }
0x9: {  	[smem:$0x3FB0] =	sst s1  }
0xa: {  	[smem:$0x3FB1] =	sst s2  }
0xb: {  	[smem:$0x3FB2] =	sst s3  }
0xc: {  	[smem:$0x3FB3] =	sst s4  }
0xd: {  	[smem:$0x3FB4] =	sst s5  }
0xe: {  	[smem:$0x3FB5] =	sst s6  }
0xf: {  	[smem:$0x3FB6] =	sst s7  }
0x10: {  	[smem:$0x3FB7] =	sst s8  }
0x11: {  	[smem:$0x3FB8] =	sst s9;
	s0 =	simm.s32 @!p0 $0x0  }
0x12: {  	s1 =	sld [smem:$0x3F9E];
	s0 =	simm.s32 @p0 $0x1  }
0x13: {  	[smem:$0x3FB9] =	sst s0;
	s0 =	simm.s32 @!p1 $0x0  }
0x14: {  	s2 =	sld [smem:$0x3F9D];
	s0 =	simm.s32 @p1 $0x1  }
0x15: {  	[smem:$0x3FBA] =	sst s0;
	s0 =	simm.s32 @!p2 $0x0  }
0x16: {  	s3 =	sld [smem:$0x3FDB];
	s0 =	simm.s32 @p2 $0x1  }
0x17: {  	s4 =	simm.s32 $0x1BF5;
	[smem:$0x3FBC] =	sst s0  }
0x18: {  	s0 =	sld [smem:$0x3F9F];
	_ =	swait.ge [sflag:s4], $0x0  }
0x19: {  	s7 =	sld [smem:$0x3FA0]  }
0x1a: {  	s8 =	sadd.s32 $0xFFFFE003, lr  }
0x1b: {  	s9 =	sadd.s32 $0xFFFFFEF7, lr;
	s5 =	simm.s32 $0xFFFFFFFF;
	p2 =	slt.u32 s8, $0xFFFFF086  }
0x1c: {  	p1 =	slt.u32 s9, $0xF7A;
	s5 =	simm.s32 @!p2 $0x0  }
0x1d: {  	s5 =	simm.s32 @p1 $0x1;
	p0 =	seq.s32 s7, s2  }
0x1e: {  	s7 =	smul.u32 @!p0 $0xF7A, s2;
	p2 =	seq.s32 @!p0 s5, $0x0  }
0x1f: {  	s9 =	smul.u32 $0xF7A, s1;
	s8 =	simm.s32 @!p0 $0x1BF5;
	p2 =	por !p2, p0  }
0x20: {  	[sflag:s8] =	ssyncset.s32 @!p0 $0xFFFFF086;
	s6 =	sadd.s32 @!p0 s3, s7;
	s7 =	simm.s32 @!p0 $0x108  }
0x21: {  	s3 =	sadd.s32 s3, s9;
	s6 =	sadd.s32 @!p0 $0x88, s6;
	s7 =	simm.s32 @p2 $0x1082  }
0x22: {  	[simem:s7], [sflag:s8] =	dma.local @!p0 [hbm:s6], $0xF7A  }
0x23: {  	s9 =	sor.u32 $0xD0000000, s2;
	s6 =	simm.s32 $0x108;
	_ =	swait.ge @!p0 [sflag:s8], $0x0  }
0x24: {  	s3 =	sadd.s32 $0x88, s3;
	s6 =	simm.s32 @!p1 $0x1082;
	[sflag:s4] =	ssyncset.s32 $0xFFFFF086  }
0x25: {  	[simem:s6], [sflag:s4] =	dma.local [hbm:s3], $0xF7A  }
0x26: {  	[smem:$0x3FA0] =	sst s1;
	(tag) =	ssettag s2;
	_ =	strace s9  }
0x27: {  	s1 =	sld [smem:$0x3FB0]  }
0x28: {  	s2 =	sld [smem:$0x3FB1]  }
0x29: {  	s4 =	sld [smem:$0x3FB3]  }
0x2a: {  	p0 =	seq.s32 s5, $0x0;
	s5 =	sld [smem:$0x3FB4]  }
0x2b: {  	s6 =	sld [smem:$0x3FB5]  }
0x2c: {  	s7 =	sld [smem:$0x3FB6]  }
0x2d: {  	s3 =	simm.s32 $0x108;
	s8 =	sld [smem:$0x3FB7]  }
0x2e: {  	s3 =	simm.s32 @!p0 $0x1082;
	s9 =	sld [smem:$0x3FB8]  }
0x2f: {  	lr =	sadd.s32 s0, s3;
	s0 =	sld [smem:$0x3FAF]  }
0x30: {  	s3 =	sld [smem:$0x3FB2]  }
0x31: {  	[smem:$0x3FBB] =	sst s10  }
0x32: {  	s10 =	sld [smem:$0x3FB9];
	_ =	sdelay $0x3  }
0x33: {  	p0 =	seq.s32 s10, $0x1;
	s10 =	sld [smem:$0x3FBB];
	_ =	sdelay $0x3  }
0x34: {  	[smem:$0x3FBB] =	sst s10  }
0x35: {  	s10 =	sld [smem:$0x3FBA];
	_ =	sdelay $0x3  }
0x36: {  	p1 =	seq.s32 s10, $0x1;
	s10 =	sld [smem:$0x3FBB];
	_ =	sdelay $0x3  }
0x37: {  	[smem:$0x3FBB] =	sst s10  }
0x38: {  	s10 =	sld [smem:$0x3FBC]  }
0x39: {  	_ = 	snop;
	(pc) =	sbr.ind lr, $3  }
0x3a: {  	_ = 	snop  }
0x3b: {  	_ = 	snop  }
0x3c: {  	p2 =	seq.s32 s10, $0x1;
	s10 =	sld [smem:$0x3FBB]  }
0x3d: {  	_ =	shalt  }
0x3e: {  	_ =	shalt  }
0x3f: {  	_ =	shalt  }
0x40: {  	_ =	shalt  }
0x41: {  	_ =	shalt  }
0x42: {  	_ =	shalt  }
0x43: {  	_ =	shalt  }
0x44: {  	_ =	shalt  }
0x45: {  	_ =	shalt  }
0x46: {  	_ =	shalt  }
0x47: {  	_ =	shalt  }
0x48: {  	_ =	shalt  }
0x49: {  	_ =	shalt  }
0x4a: {  	_ =	shalt  }
0x4b: {  	_ =	shalt  }
0x4c: {  	_ =	shalt  }
0x4d: {  	_ =	shalt  }
0x4e: {  	_ =	shalt  }
0x4f: {  	_ =	shalt  }
0x50: {  	_ =	shalt  }
0x51: {  	_ =	shalt  }
0x52: {  	_ =	shalt  }
0x53: {  	_ =	shalt  }
0x54: {  	_ =	shalt  }
0x55: {  	_ =	shalt  }
0x56: {  	_ =	shalt  }
0x57: {  	_ =	shalt  }
0x58: {  	_ =	shalt  }
0x59: {  	_ =	shalt  }
0x5a: {  	_ =	shalt  }
0x5b: {  	_ =	shalt  }
0x5c: {  	_ =	shalt  }
0x5d: {  	_ =	shalt  }
0x5e: {  	_ =	shalt  }
0x5f: {  	_ =	shalt  }
0x60: {  	_ =	shalt  }
0x61: {  	_ =	shalt  }
0x62: {  	_ =	shalt  }
0x63: {  	_ =	shalt  }
0x64: {  	_ =	shalt  }
0x65: {  	_ =	shalt  }
0x66: {  	_ =	shalt  }
0x67: {  	_ =	shalt  }
0x68: {  	_ =	shalt  }
0x69: {  	_ =	shalt  }
0x6a: {  	_ =	shalt  }
0x6b: {  	_ =	shalt  }
0x6c: {  	_ =	shalt  }
0x6d: {  	_ =	shalt  }
0x6e: {  	_ =	shalt  }
0x6f: {  	_ =	shalt  }
0x70: {  	_ =	shalt  }
0x71: {  	_ =	shalt  }
0x72: {  	_ =	shalt  }
0x73: {  	_ =	shalt  }
0x74: {  	_ =	shalt  }
0x75: {  	_ =	shalt  }
0x76: {  	_ =	shalt  }
0x77: {  	_ =	shalt  }
0x78: {  	_ =	shalt  }
0x79: {  	_ =	shalt  }
0x7a: {  	_ =	shalt  }
0x7b: {  	_ =	shalt  }
0x7c: {  	_ =	shalt  }
0x7d: {  	_ =	shalt  }
0x7e: {  	_ =	shalt  }
0x7f: {  	_ =	shalt  }
0x80: {  	_ =	shalt  }
0x81: {  	_ =	shalt  }
0x82: {  	_ =	shalt  }
0x83: {  	_ =	shalt  }
0x84: {  	_ =	shalt  }
0x85: {  	_ =	shalt  }
0x86: {  	_ =	shalt  }
0x87: {  	_ =	shalt  }
.Lfunc_end0:
.L_simem_size_0:
called_computation.1_lowered:
.L_overlay_start_0:
0x88: {  	s2 =	sld [smem:$0x3FD9]  }
0x89: {  	s3 =	sld [smem:$0x3FFE];
	_ =	sdelay $0x1  }
0x8a: {  	s1 =	srdreg.scid  }
0x8b: {  	s0 =	sand.u32 $0x1, s1  }
0x8c: {  	s16 =	sshll.u32 s0, $0xA;
	s2 =	sadd.s32 s3, s2  }
0x8d: {  	s2 =	sadd.s32 s2, s16  }
0x8e: {  	[smem:$0x3FC7] =	sst s2  }
0x8f: {  	_ = 	snop  }
0x90: {  	(tm) =	ssettm $0x1  }
0x91: {  	s17 =	sld [smem:$0x3FFB];
	_ =	sdelay $0x3  }
0x92: {  	_ =	strace s17  }
0x93: {  	s2 =	sld [smem:$0x3FFC];
	_ =	sdelay $0x3  }
0x94: {  	_ =	strace s2  }
0x95: {  	s2 =	sld [smem:$0x3FFD];
	_ =	sdelay $0x3  }
0x96: {  	_ =	strace s2  }
0x97: {  	_ =	strace $0x8FFFFFFF  }
0x98: {  	s18 =	sld [smem:$0x3FDB];
	_ =	sdelay $0x1  }
0x99: {  	s19 =	simm.s32 $_scs_section_size  }
0x9a: {  	s4 =	simm.s32 $_size__tile_overlayer_lowered;
	s5 =	simm.s32 $_tile_overlayer_lowered  }
0x9b: {  	s22 =	simm.s32 $0x1BFF;
	s21 =	sshll.u32 s5, $0x1;
	s2 =	sadd.s32 s19, s18  }
0x9c: {  	s6 =	simm.s32 $0x0;
	s20 =	sshll.u32 s4, $0x1;
	s4 =	sadd.s32 s21, s2  }
0x9d: {  	[timem:s6], [sflag:s22] =	dma.local [hbm:s4], s20  }
0x9e: {  	_ =	swait.ge [sflag:s22], s20  }
0x9f: {  	s3 =	ssub.s32 $0x0, s20;
	[sflag:s22] =	ssyncset.done $0x0  }
0xa0: {  	[sflag:s22] =	ssyncadd.s32 s3;
	_ =	sdelay $0x1  }
0xa1: {  	s23 =	simm.s32 $0x1B8B  }
0xa2: {  	_ =	swait.ge [sflag:s23], $0x1  }
0xa3: {  	[sflag:s23] =	ssyncset.done $0x0  }
0xa4: {  	s25 =	simm.s32 $0x1B8E;
	s24 =	sld [smem:$0x3FFE];
	[sflag:s23] =	ssyncadd.s32 $0xFFFFFFFF  }
0xa5: {  	s26 =	simm.s32 $execute0_lowered;
	[smem:$0x3FD2] =	sst s25  }
0xa6: {  	s4 =	sshll.u32 s26, $0x1;
	_ =	strace $0x80000049;
	[dreg:$0x1] =	wrdreg $0xFFFFFFFF  }
0xa7: {  	s28 =	simm.s32 $_size_execute0_lowered;
	s2 =	sadd.s32 s2, s4;
	[dreg:$0x0] =	wrdreg $0x0  }
0xa8: {  	s4 =	sshll.u32 s28, $0x1;
	[dreg:$0x2] =	wrdreg s2  }
0xa9: {  	[dreg:$0x3] =	wrdreg s4  }
0xaa: {  	[dreg:$0x4] =	wrdreg $0xC0  }
0xab: {  	_ =	task [dreg:s6], $0x5FFFF  }
0xac: {  	[dreg:$0x1] =	wrdreg $0xFFFFFFFF  }
0xad: {  	[dreg:$0x0] =	wrdreg $0x60  }
0xae: {  	[dreg:$0x2] =	wrdreg s24  }
0xaf: {  	[dreg:$0x3] =	wrdreg $0x120800  }
0xb0: {  	[dreg:$0x4] =	wrdreg $0x9  }
0xb1: {  	_ =	task.clear_ibuf [dreg:s6], $0x5FFFF;
	_ =	strace $0x90000049  }
0xb2: {  	s29 =	simm.s32 $0x9;
	_ =	strace $0x8000004B  }
0xb3: {  	_ =	swait.ge [sflag:s29], $0x1  }
0xb4: {  	[sflag:s29] =	ssyncadd.s32 $0xFFFFFFFF  }
0xb5: {  	_ =	strace $0x9000004B  }
0xb6: {  	_ =	sfence  }
0xb7: {  	s30 =	sld [smem:$0x0];
	_ =	sdelay $0x2  }
0xb8: {  	s31 =	sshll.u32 s1, $0xD;
	s1 =	sshrl.u32 s1, $0x2  }
0xb9: {  	s3 =	sand.u32 $0x4000, s31;
	s1 =	sadd.s32 s1, s30  }
0xba: {  	s0 =	sor.u32 s3, s0;
	s1 =	sshll.u32 s1, $0x11  }
0xbb: {  	s0 =	sor.u32 s1, s0  }
0xbc: {  	s0 =	sadd.s32 $0x8F2B, s0  }
0xbd: {  	[sflag:s0] =	ssyncadd.remote.s32 $0x1  }
0xbe: {  	_ =	sfence.sel $0xFFFF  }
0xbf: {  	[dreg:$0x0] =	wrdreg $0xFFFFFFFF;
	(pc) =	sbr.abs _section_cstart, $3  }
0xc0: {  	[dreg:$0x1] =	wrdreg $0xFFFFFFFF  }
0xc1: {  	_ =	task.clear_ibuf [dreg:s6], $0x2FFFF;
	_ =	strace $0x9FFFFFFF  }
0xc2: {  	(tm) =	ssettm $0x7FFFFFFF  }
0xc3: {  	_ =	shalt  }
tec
execute0_lowered:
.L_overlay_start_1:
0x0: {  	(tag) =	ssettag $0x1  }
0x1: {  	s5 =	rddreg [dreg:$0x0]  }
0x2: {  	s2 =	rddreg [dreg:$0x1]  }
0x3: {  	s0 =	rddreg [dreg:$0x2];
	s4 =	srdreg.scid  }
0x4: {  	s3 =	simm.s32 $0x0;
	s1 =	stileid.u32;
	s6 =	sand.u32 $0x1, s4  }
0x5: {  	[smem:$0x7FF] =	sst s3;
	s7 =	sshrl.u32 s1, $0x2;
	s4 =	sadd.s32 $0x1400, s5  }
0x6: {  	s11 =	sand.u32 $0x3, s1;
	s31 =	sshll.u32 s1, $0xE;
	s8 =	sshll.u32 s6, $0x2  }
0x7: {  	_ =	strace $0x8000004A;
	s6 =	ssub.s32 $0x2, s6;
	s12 =	smul.u32 $0x126000, s11  }
0x8: {  	s13 =	sshll.u32 s7, $0x10;
	p0 =	sne.s32 s11, $0x0;
	s11 =	simm.s32 $0x1  }
0x9: {  	s8 =	sor.u32 s7, s8;
	s10 =	sshrl.u32 s6, $0x1;
	s15 =	sadd.s32 s13, s2  }
0xa: {  	s14 =	sshll.u32 @!p0 s1, $0x6;
	v0 =	vmov s13;
	s13 =	simm.s32 $0xC000;
	s9 =	smul.u32 $0x498000, s8  }
0xb: {  	s8 =	sshll.u32 s8, $0x4;
	s10 =	ssub.s32 s6, s10;
	s6 =	sadd.s32 s31, s2  }
0xc: {  	s14 =	sor.u32 @!p0 $0x1C01, s14;
	s15 =	sshrl.u32 @!p0 s15, $0x3;
	s8 =	sadd.s32 s8, s5  }
0xd: {  	s5 =	sadd.s32 s12, s9;
	s7 =	sadd.s32 $0x499400, s8;
	s8 =	sadd.s32 $0x499800, s8  }
0xe: {  	v1 =	vimm.f32 $0.0e+00;
	v2 =	vimm.s32 $0xFFFF;
	s9 =	smax.u32 s10, $0x1;
	s10 =	simm.s32 $0x6000;
	s12 =	simm.s32 $0x12000  }
.LBB2_1:
0xf: {  	s16 =	simm.s32 $0x40;
	s17 =	simm.s32 $0x0  }
.LBB2_2:
0x10: {  	p1 =	sne.s32 s16, $0x17FC0;
	[tilespmem:s17+$0x6000] =	vst v1;
	s17 =	smov.u32 s16;
	s16 =	sadd.s32 $0x40, s16  }
.Ltmp0:
0x11: {  	(pc) =	sbr.rel @p1 .LBB2_2-.Ltmp0, $2  }
0x12: {  	_ =	sdelay $0x2  }
0x13: {  	s17 =	sshra.s32 s17, $0x2  }
0x14: {  	[tilespmem:s17+$0x6000] =	vst v1  }
0x15: {  	[spmem:s6] =	stream.linear.scatter [tilespmem:s10], [sflag:$0x1], $0x4000, $0x38;
	[tilespmem:$0x16080] =	vst v63  }
0x16: {  	_ =	swait.ge [sflag:s11], $0x4000  }
0x17: {  	[sflag:s11] =	ssyncset.done $0x0  }
0x18: {  	[sflag:s11] =	ssyncadd.s32 $0xFFFFC000  }
0x19: {  	s16 =	simm.s32 $0x0;
	[bflag:$0x0] =	sbarrier.arrive $0xFFFF  }
0x1a: {  	[tilespmem:s12], [sflag:$0x1] =	stream.linear.gather [hbm4b:s7+s16], $0x80, $0x38;
	[tilespmem:$0x16080] =	vst v63  }
0x1b: {  	_ =	swait.ge [sflag:s11], $0x80  }
0x1c: {  	[sflag:s11] =	ssyncset.done $0x0  }
0x1d: {  	[sflag:s11] =	ssyncadd.s32 $0xFFFFFF80  }
0x1e: {  	v3 =	vld [tilespmem:$0x12000]  }
0x1f: {  	s17 =	simm.s32 $0x0  }
.LBB2_4:
0x20: {  	s18 =	smul.u32 $0x6000, s17;
	_ =	sdelay $0x1  }
0x21: {  	s18 =	sadd.s32 s18, s5  }
0x22: {  	s18 =	sshrl.u32 s18, $0x3  }
0x23: {  	s18 =	sadd.s32 s4, s18  }
0x24: {  	[tilespmem:s16], [sflag:$0x1] =	stream.linear.gather [hbm4b:s18+s16], $0x6000, $0x38;
	[tilespmem:$0x16080] =	vst v63  }
0x25: {  	_ =	swait.ge [sflag:s11], $0x6000  }
0x26: {  	[sflag:s11] =	ssyncset.done $0x0  }
0x27: {  	s18 =	simm.s32 $0x0;
	[sflag:s11] =	ssyncadd.s32 $0xFFFFA000  }
0x28: {  	v4 =	vld [tilespmem:s18+$0x0];
	_ =	sdelay $0x3  }
0x29: {  	s19 =	simm.s32 $0x40  }
.LBB2_5:
0x2a: {  	s20 =	sshra.s32 s19, $0x2;
	p1 =	sne.s32 s19, $0x17FC0;
	s19 =	sadd.s32 $0x40, s19;
	vm0 =	vgt.s32 v4, $0xFFFFFFFF;
	v5 =	vand.u32 $0xFFFF, v4  }
.Ltmp1:
0x2b: {  	v6 =	vshrl.u32 v4, $0x10;
	v4 =	vld [tilespmem:s20+$0x0];
	v7 =	vsel vm0, $0x8000, v2;
	v8 =	vsel vm0, $0x0, v2;
	(pc) =	sbr.rel @p1 .LBB2_5-.Ltmp1, $4  }
0x2c: {  	v6 =	vxor.u32 v6, v7;
	v5 =	vxor.u32 v5, v8  }
0x2d: {  	v5 =	vor.u32 v0, v5;
	vm0 =	veq.s32 v6, v3  }
0x2e: {  	[tilespmem:s18+$0xC000] =	vst v5;
	v5 =	vsel vm0, $0x3F800000, v1  }
0x2f: {  	[tilespmem:s18+$0x6000] =	vst v5;
	s18 =	smov.u32 s20  }
0x30: {  	vm0 =	vgt.s32 v4, $0xFFFFFFFF;
	v5 =	vand.u32 $0xFFFF, v4  }
0x31: {  	v4 =	vshrl.u32 v4, $0x10;
	v6 =	vsel vm0, $0x8000, v2;
	v7 =	vsel vm0, $0x0, v2  }
0x32: {  	v4 =	vxor.u32 v4, v6;
	v5 =	vxor.u32 v5, v7  }
0x33: {  	s17 =	sadd.s32 $0x1, s17;
	v5 =	vor.u32 v0, v5;
	vm15 =	veq.s32 v4, v3  }
0x34: {  	p1 =	sne.s32 s17, $0x31;
	[tilespmem:s18+$0xC000] =	vst v5;
	v4 =	vsel vm15, $0x3F800000, v1  }
.Ltmp2:
0x35: {  	[tilespmem:s18+$0x6000] =	vst v4;
	(pc) =	sbr.rel @p1 .LBB2_4-.Ltmp2, $4  }
0x36: {  	[spmem:s2] =	stream.indirect.scatter.add.f32 [tilespmem:s10], [sflag:$0x1], $0x1, s13, s10, $0xb8;
	[tilespmem:$0x16080] =	vst v63  }
0x37: {  	_ =	swait.ge [sflag:s11], $0x6000  }
0x38: {  	[sflag:s11] =	ssyncset.done $0x0  }
0x39: {  	[sflag:s11] =	ssyncadd.s32 $0xFFFFA000  }
0x3a: {  	s3 =	sadd.s32 $0x1, s3  }
0x3b: {  	[bflag:$0x0] =	sbarrier.arrive $0xFFFF;
	s16 =	simm.s32 @!p0 $0x1;
	p1 =	sne.s32 s3, s9  }
.Ltmp3:
0x3c: {  	s17 =	simm.s32 @!p0 $0x80;
	s18 =	simm.s32 @!p0 $0x10;
	(pc) =	sbr.rel @p1 .LBB2_1-.Ltmp3, $4  }
0x3d: {  	[hbm:s8@s17], [sflag:s14] =	dma.strided @!p0 [spmem:s15@s18], $0x2000, s16, $0x10   }
0x3e: {  	_ =	swait.ge @!p0 [sflag:s16], $0x2000  }
0x3f: {  	[sflag:s16] =	ssyncset.done @!p0 $0x0  }
0x40: {  	[sflag:s16] =	ssyncadd.s32 @!p0 $0xFFFFE000  }
0x41: {  	_ =	sfence.sel $0x180000  }
0x42: {  	[bflag:$0x0] =	sbarrier.arrive $0xFFFF  }
0x43: {  	p0 =	sne.s32 s1, $0x0;
	_ =	strace $0x9000004A  }
0x44: {  	s0 =	sadd.s32 @!p0 $0x100000, s0;
	[bflag:$0x2] =	sbarrier.arrive $0xFFFF  }
0x45: {  	[sflag:s0] =	ssyncadd.tile.s32 @!p0 $0x1;
	_ =	shalt  }
.Lfunc_end2:
_tile_overlayer_lowered:
.L_overlay_start_2:
0x46: {  	(tag) =	ssettag $0x2  }
0x47: {  	s0 =	rddreg [dreg:$0x0];
	s2 =	stileid.u32  }
0x48: {  	s1 =	rddreg [dreg:$0x1];
	p0 =	sne.s32 s2, $0x0  }
0x49: {  	s3 =	rddreg [dreg:$0x2];
	[bflag:$0x3] =	sbarrier.arrive $0xFFFF;
	s2 =	simm.s32 @!p0 $0x1C01  }
0x4a: {  	[timem:s3], [sflag:s2] =	dma.local @!p0 [hbm:s0], s1  }
0x4b: {  	s0 =	simm.s32 @!p0 $0x1  }
0x4c: {  	_ =	swait.ge @!p0 [sflag:s0], s1  }
0x4d: {  	s1 =	ssub.s32 @!p0 $0x0, s1;
	[sflag:s0] =	ssyncset.done @!p0 $0x0  }
0x4e: {  	[sflag:s0] =	ssyncadd.s32 @!p0 s1  }
0x4f: {  	[bflag:$0x3] =	sbarrier.arrive $0xFFFF  }
0x50: {  	_ =	shalt  }

// kernel: kernel.7.cloned.1.call-start
scs
__scs_entry_jumppad:
0x0: {  	(pc) =	sbr.rel $0x88, $3  }
0x1: {  	(tag) =	ssettag $0x0;
	lr =	simm.s32 $0x1  }
0x2: {  	[smem:$0x3FA0] =	sst lr;
	_ =	strace $0xD0000000  }
0x3: {  	_ = 	snop  }
0x4: {  	_ = 	snop  }
0x5: {  	_ = 	snop  }
0x6: {  	_ = 	snop  }
0x7: {  	_ = 	snop  }
__scs_overlays_trampoline_lowered:
0x8: {  	[smem:$0x3FAF] =	sst s0  }
0x9: {  	[smem:$0x3FB0] =	sst s1  }
0xa: {  	[smem:$0x3FB1] =	sst s2  }
0xb: {  	[smem:$0x3FB2] =	sst s3  }
0xc: {  	[smem:$0x3FB3] =	sst s4  }
0xd: {  	[smem:$0x3FB4] =	sst s5  }
0xe: {  	[smem:$0x3FB5] =	sst s6  }
0xf: {  	[smem:$0x3FB6] =	sst s7  }
0x10: {  	[smem:$0x3FB7] =	sst s8  }
0x11: {  	[smem:$0x3FB8] =	sst s9;
	s0 =	simm.s32 @!p0 $0x0  }
0x12: {  	s1 =	sld [smem:$0x3F9E];
	s0 =	simm.s32 @p0 $0x1  }
0x13: {  	[smem:$0x3FB9] =	sst s0;
	s0 =	simm.s32 @!p1 $0x0  }
0x14: {  	s2 =	sld [smem:$0x3F9D];
	s0 =	simm.s32 @p1 $0x1  }
0x15: {  	[smem:$0x3FBA] =	sst s0;
	s0 =	simm.s32 @!p2 $0x0  }
0x16: {  	s3 =	sld [smem:$0x3FDB];
	s0 =	simm.s32 @p2 $0x1  }
0x17: {  	s4 =	simm.s32 $0x1BF5;
	[smem:$0x3FBC] =	sst s0  }
0x18: {  	s0 =	sld [smem:$0x3F9F];
	_ =	swait.ge [sflag:s4], $0x0  }
0x19: {  	s7 =	sld [smem:$0x3FA0]  }
0x1a: {  	s8 =	sadd.s32 $0xFFFFE003, lr  }
0x1b: {  	s9 =	sadd.s32 $0xFFFFFEF7, lr;
	s5 =	simm.s32 $0xFFFFFFFF;
	p2 =	slt.u32 s8, $0xFFFFF086  }
0x1c: {  	p1 =	slt.u32 s9, $0xF7A;
	s5 =	simm.s32 @!p2 $0x0  }
0x1d: {  	s5 =	simm.s32 @p1 $0x1;
	p0 =	seq.s32 s7, s2  }
0x1e: {  	s7 =	smul.u32 @!p0 $0xF7A, s2;
	p2 =	seq.s32 @!p0 s5, $0x0  }
0x1f: {  	s9 =	smul.u32 $0xF7A, s1;
	s8 =	simm.s32 @!p0 $0x1BF5;
	p2 =	por !p2, p0  }
0x20: {  	[sflag:s8] =	ssyncset.s32 @!p0 $0xFFFFF086;
	s6 =	sadd.s32 @!p0 s3, s7;
	s7 =	simm.s32 @!p0 $0x108  }
0x21: {  	s3 =	sadd.s32 s3, s9;
	s6 =	sadd.s32 @!p0 $0x88, s6;
	s7 =	simm.s32 @p2 $0x1082  }
0x22: {  	[simem:s7], [sflag:s8] =	dma.local @!p0 [hbm:s6], $0xF7A  }
0x23: {  	s9 =	sor.u32 $0xD0000000, s2;
	s6 =	simm.s32 $0x108;
	_ =	swait.ge @!p0 [sflag:s8], $0x0  }
0x24: {  	s3 =	sadd.s32 $0x88, s3;
	s6 =	simm.s32 @!p1 $0x1082;
	[sflag:s4] =	ssyncset.s32 $0xFFFFF086  }
0x25: {  	[simem:s6], [sflag:s4] =	dma.local [hbm:s3], $0xF7A  }
0x26: {  	[smem:$0x3FA0] =	sst s1;
	(tag) =	ssettag s2;
	_ =	strace s9  }
0x27: {  	s1 =	sld [smem:$0x3FB0]  }
0x28: {  	s2 =	sld [smem:$0x3FB1]  }
0x29: {  	s4 =	sld [smem:$0x3FB3]  }
0x2a: {  	p0 =	seq.s32 s5, $0x0;
	s5 =	sld [smem:$0x3FB4]  }
0x2b: {  	s6 =	sld [smem:$0x3FB5]  }
0x2c: {  	s7 =	sld [smem:$0x3FB6]  }
0x2d: {  	s3 =	simm.s32 $0x108;
	s8 =	sld [smem:$0x3FB7]  }
0x2e: {  	s3 =	simm.s32 @!p0 $0x1082;
	s9 =	sld [smem:$0x3FB8]  }
0x2f: {  	lr =	sadd.s32 s0, s3;
	s0 =	sld [smem:$0x3FAF]  }
0x30: {  	s3 =	sld [smem:$0x3FB2]  }
0x31: {  	[smem:$0x3FBB] =	sst s10  }
0x32: {  	s10 =	sld [smem:$0x3FB9];
	_ =	sdelay $0x3  }
0x33: {  	p0 =	seq.s32 s10, $0x1;
	s10 =	sld [smem:$0x3FBB];
	_ =	sdelay $0x3  }
0x34: {  	[smem:$0x3FBB] =	sst s10  }
0x35: {  	s10 =	sld [smem:$0x3FBA];
	_ =	sdelay $0x3  }
0x36: {  	p1 =	seq.s32 s10, $0x1;
	s10 =	sld [smem:$0x3FBB];
	_ =	sdelay $0x3  }
0x37: {  	[smem:$0x3FBB] =	sst s10  }
0x38: {  	s10 =	sld [smem:$0x3FBC]  }
0x39: {  	_ = 	snop;
	(pc) =	sbr.ind lr, $3  }
0x3a: {  	_ = 	snop  }
0x3b: {  	_ = 	snop  }
0x3c: {  	p2 =	seq.s32 s10, $0x1;
	s10 =	sld [smem:$0x3FBB]  }
0x3d: {  	_ =	shalt  }
0x3e: {  	_ =	shalt  }
0x3f: {  	_ =	shalt  }
0x40: {  	_ =	shalt  }
0x41: {  	_ =	shalt  }
0x42: {  	_ =	shalt  }
0x43: {  	_ =	shalt  }
0x44: {  	_ =	shalt  }
0x45: {  	_ =	shalt  }
0x46: {  	_ =	shalt  }
0x47: {  	_ =	shalt  }
0x48: {  	_ =	shalt  }
0x49: {  	_ =	shalt  }
0x4a: {  	_ =	shalt  }
0x4b: {  	_ =	shalt  }
0x4c: {  	_ =	shalt  }
0x4d: {  	_ =	shalt  }
0x4e: {  	_ =	shalt  }
0x4f: {  	_ =	shalt  }
0x50: {  	_ =	shalt  }
0x51: {  	_ =	shalt  }
0x52: {  	_ =	shalt  }
0x53: {  	_ =	shalt  }
0x54: {  	_ =	shalt  }
0x55: {  	_ =	shalt  }
0x56: {  	_ =	shalt  }
0x57: {  	_ =	shalt  }
0x58: {  	_ =	shalt  }
0x59: {  	_ =	shalt  }
0x5a: {  	_ =	shalt  }
0x5b: {  	_ =	shalt  }
0x5c: {  	_ =	shalt  }
0x5d: {  	_ =	shalt  }
0x5e: {  	_ =	shalt  }
0x5f: {  	_ =	shalt  }
0x60: {  	_ =	shalt  }
0x61: {  	_ =	shalt  }
0x62: {  	_ =	shalt  }
0x63: {  	_ =	shalt  }
0x64: {  	_ =	shalt  }
0x65: {  	_ =	shalt  }
0x66: {  	_ =	shalt  }
0x67: {  	_ =	shalt  }
0x68: {  	_ =	shalt  }
0x69: {  	_ =	shalt  }
0x6a: {  	_ =	shalt  }
0x6b: {  	_ =	shalt  }
0x6c: {  	_ =	shalt  }
0x6d: {  	_ =	shalt  }
0x6e: {  	_ =	shalt  }
0x6f: {  	_ =	shalt  }
0x70: {  	_ =	shalt  }
0x71: {  	_ =	shalt  }
0x72: {  	_ =	shalt  }
0x73: {  	_ =	shalt  }
0x74: {  	_ =	shalt  }
0x75: {  	_ =	shalt  }
0x76: {  	_ =	shalt  }
0x77: {  	_ =	shalt  }
0x78: {  	_ =	shalt  }
0x79: {  	_ =	shalt  }
0x7a: {  	_ =	shalt  }
0x7b: {  	_ =	shalt  }
0x7c: {  	_ =	shalt  }
0x7d: {  	_ =	shalt  }
0x7e: {  	_ =	shalt  }
0x7f: {  	_ =	shalt  }
0x80: {  	_ =	shalt  }
0x81: {  	_ =	shalt  }
0x82: {  	_ =	shalt  }
0x83: {  	_ =	shalt  }
0x84: {  	_ =	shalt  }
0x85: {  	_ =	shalt  }
0x86: {  	_ =	shalt  }
0x87: {  	_ =	shalt  }
.Lfunc_end0:
.L_simem_size_0:
called_computation_lowered:
.L_overlay_start_0:
0x88: {  	s2 =	sld [smem:$0x3FD9]  }
0x89: {  	s3 =	sld [smem:$0x3FFE];
	_ =	sdelay $0x1  }
0x8a: {  	s1 =	srdreg.scid  }
0x8b: {  	s0 =	sand.u32 $0x1, s1  }
0x8c: {  	s17 =	sshll.u32 s0, $0xA;
	s2 =	sadd.s32 s3, s2  }
0x8d: {  	s2 =	sadd.s32 s2, s17  }
0x8e: {  	[smem:$0x3FC7] =	sst s2  }
0x8f: {  	_ = 	snop  }
0x90: {  	s2 =	sld [smem:$0x3FD0];
	(tm) =	ssettm $0x1  }
0x91: {  	s18 =	sld [smem:$0x3FFB];
	_ =	sdelay $0x3  }
0x92: {  	_ =	strace s18  }
0x93: {  	s3 =	sld [smem:$0x3FFC];
	_ =	sdelay $0x3  }
0x94: {  	_ =	strace s3  }
0x95: {  	s3 =	sld [smem:$0x3FFD];
	_ =	sdelay $0x3  }
0x96: {  	_ =	strace s3  }
0x97: {  	_ =	strace $0x8FFFFFFF  }
0x98: {  	s19 =	sld [smem:$0x3FDB];
	_ =	sdelay $0x1  }
0x99: {  	s4 =	simm.s32 $_scs_section_size  }
0x9a: {  	s5 =	simm.s32 $_size__tile_overlayer_lowered;
	s6 =	simm.s32 $_tile_overlayer_lowered  }
0x9b: {  	s22 =	simm.s32 $0x1BFF;
	s21 =	sshll.u32 s6, $0x1;
	s3 =	sadd.s32 s4, s19  }
0x9c: {  	s7 =	simm.s32 $0x0;
	s20 =	sshll.u32 s5, $0x1;
	s5 =	sadd.s32 s21, s3  }
0x9d: {  	[timem:s7], [sflag:s22] =	dma.local [hbm:s5], s20  }
0x9e: {  	_ =	swait.ge [sflag:s22], s20  }
0x9f: {  	s4 =	ssub.s32 $0x0, s20;
	[sflag:s22] =	ssyncset.done $0x0  }
0xa0: {  	[sflag:s22] =	ssyncadd.s32 s4;
	_ =	sdelay $0x1  }
0xa1: {  	s23 =	simm.s32 $0x1B8B  }
0xa2: {  	_ =	swait.ge [sflag:s23], $0x1  }
0xa3: {  	[sflag:s23] =	ssyncset.done $0x0  }
0xa4: {  	s25 =	simm.s32 $0x1B8E;
	s24 =	sld [smem:$0x3FFE];
	[sflag:s23] =	ssyncadd.s32 $0xFFFFFFFF  }
0xa5: {  	s26 =	simm.s32 $execute0_lowered;
	[smem:$0x3FD2] =	sst s25  }
0xa6: {  	s5 =	sshll.u32 s26, $0x1;
	_ =	strace $0x80000046;
	[dreg:$0x1] =	wrdreg $0xFFFFFFFF  }
0xa7: {  	s28 =	simm.s32 $_size_execute0_lowered;
	s3 =	sadd.s32 s3, s5;
	[dreg:$0x0] =	wrdreg $0x0  }
0xa8: {  	s5 =	sshll.u32 s28, $0x1;
	[dreg:$0x2] =	wrdreg s3  }
0xa9: {  	[dreg:$0x3] =	wrdreg s5  }
0xaa: {  	[dreg:$0x4] =	wrdreg $0xC0  }
0xab: {  	_ =	task [dreg:s7], $0x5FFFF  }
0xac: {  	[dreg:$0x1] =	wrdreg $0xFFFFFFFF  }
0xad: {  	[dreg:$0x0] =	wrdreg $0x60  }
0xae: {  	[dreg:$0x2] =	wrdreg s24  }
0xaf: {  	[dreg:$0x3] =	wrdreg s2  }
0xb0: {  	[dreg:$0x4] =	wrdreg $0x120000  }
0xb1: {  	[dreg:$0x5] =	wrdreg $0x9  }
0xb2: {  	_ =	task.clear_ibuf [dreg:s7], $0x6FFFF;
	_ =	strace $0x90000046  }
0xb3: {  	s29 =	simm.s32 $0x9;
	_ =	strace $0x80000048  }
0xb4: {  	_ =	swait.ge [sflag:s29], $0x1  }
0xb5: {  	[sflag:s29] =	ssyncadd.s32 $0xFFFFFFFF  }
0xb6: {  	_ =	strace $0x90000048  }
0xb7: {  	_ =	sfence  }
0xb8: {  	s30 =	sld [smem:$0x0];
	_ =	sdelay $0x2  }
0xb9: {  	s31 =	sshll.u32 s1, $0xD;
	s1 =	sshrl.u32 s1, $0x2  }
0xba: {  	s3 =	sand.u32 $0x4000, s31;
	s1 =	sadd.s32 s1, s30  }
0xbb: {  	s0 =	sor.u32 s3, s0;
	s1 =	sshll.u32 s1, $0x11  }
0xbc: {  	s0 =	sor.u32 s1, s0  }
0xbd: {  	s0 =	sadd.s32 $0x8F2B, s0  }
0xbe: {  	[sflag:s0] =	ssyncadd.remote.s32 $0x1  }
0xbf: {  	_ =	sfence.sel $0xFFFF  }
0xc0: {  	[dreg:$0x0] =	wrdreg $0xFFFFFFFF;
	(pc) =	sbr.abs _section_cstart, $3  }
0xc1: {  	[dreg:$0x1] =	wrdreg $0xFFFFFFFF  }
0xc2: {  	_ =	task.clear_ibuf [dreg:s7], $0x2FFFF;
	_ =	strace $0x9FFFFFFF  }
0xc3: {  	(tm) =	ssettm $0x7FFFFFFF  }
tec
execute0_lowered:
.L_overlay_start_1:
0x0: {  	(tag) =	ssettag $0x1  }
0x1: {  	s4 =	rddreg [dreg:$0x0]  }
0x2: {  	s1 =	srdreg.scid;
	s7 =	rddreg [dreg:$0x1]  }
0x3: {  	s0 =	stileid.u32;
	s2 =	rddreg [dreg:$0x2]  }
0x4: {  	s3 =	simm.s32 $0x0;
	s5 =	sand.u32 $0x1, s1;
	s1 =	rddreg [dreg:$0x3]  }
0x5: {  	s6 =	sshrl.u32 s0, $0x2;
	s9 =	sand.u32 $0x3, s0;
	[smem:$0x7FF] =	sst s3  }
0x6: {  	s4 =	sadd.s32 $0x1400, s4;
	s30 =	sshll.u32 s0, $0xE;
	s8 =	sshll.u32 s5, $0x2  }
0x7: {  	s5 =	ssub.s32 $0x2, s5;
	s12 =	smul.u32 $0x126000, s9;
	_ =	strace $0x80000047  }
0x8: {  	s31 =	sshll.u32 s6, $0x10;
	p0 =	sne.s32 s9, $0x0;
	s9 =	simm.s32 $0x6000  }
0x9: {  	s8 =	sor.u32 s6, s8;
	s11 =	sshrl.u32 s5, $0x1;
	s6 =	sadd.s32 s30, s2  }
0xa: {  	s13 =	sadd.s32 s31, s2;
	s10 =	smul.u32 $0x498000, s8;
	s8 =	sshll.u32 s8, $0x4  }
0xb: {  	s11 =	ssub.s32 s5, s11;
	s13 =	sshrl.u32 @!p0 s13, $0x3;
	s7 =	sadd.s32 s7, s8  }
0xc: {  	v1 =	vimm.f32 $0.0e+00;
	s8 =	smax.u32 s11, $0x1;
	s5 =	sadd.s32 s12, s10;
	s12 =	sshll.u32 @!p0 s0, $0x6  }
0xd: {  	v2 =	vimm.f32 $1.000000000e+00;
	v3 =	vimm.s32 $0xFFFF;
	v0 =	vmov s31;
	s11 =	simm.s32 $0xC000;
	s10 =	simm.s32 $0x1;
	s12 =	sor.u32 @!p0 $0x1C01, s12  }
.LBB2_1:
0xe: {  	s14 =	simm.s32 $0x40;
	s15 =	simm.s32 $0x0  }
.LBB2_2:
0xf: {  	p1 =	sne.s32 s14, $0x17FC0;
	[tilespmem:s15+$0x6000] =	vst v1;
	s15 =	smov.u32 s14;
	s14 =	sadd.s32 $0x40, s14  }
.Ltmp0:
0x10: {  	(pc) =	sbr.rel @p1 .LBB2_2-.Ltmp0, $2  }
0x11: {  	_ =	sdelay $0x2  }
0x12: {  	s15 =	sshra.s32 s15, $0x2  }
0x13: {  	[tilespmem:s15+$0x6000] =	vst v1  }
0x14: {  	[spmem:s6] =	stream.linear.scatter [tilespmem:s9], [sflag:$0x1], $0x4000, $0x38;
	[tilespmem:$0x16000] =	vst v63  }
0x15: {  	_ =	swait.ge [sflag:s10], $0x4000  }
0x16: {  	[sflag:s10] =	ssyncset.done $0x0  }
0x17: {  	s14 =	simm.s32 $0x0;
	[sflag:s10] =	ssyncadd.s32 $0xFFFFC000  }
0x18: {  	s15 =	simm.s32 $0x40;
	s16 =	simm.s32 $0x0;
	[bflag:$0x0] =	sbarrier.arrive $0xFFFF  }
.LBB2_4:
0x19: {  	p1 =	sne.s32 s15, $0x17FC0;
	[tilespmem:s16+$0x6000] =	vst v2;
	s16 =	smov.u32 s15;
	s15 =	sadd.s32 $0x40, s15  }
.Ltmp1:
0x1a: {  	(pc) =	sbr.rel @p1 .LBB2_4-.Ltmp1, $2  }
0x1b: {  	_ =	sdelay $0x2  }
0x1c: {  	s16 =	sshra.s32 s16, $0x2  }
0x1d: {  	[tilespmem:s16+$0x6000] =	vst v2  }
.LBB2_6:
0x1e: {  	s15 =	smul.u32 $0x6000, s14;
	_ =	sdelay $0x1  }
0x1f: {  	s15 =	sadd.s32 s15, s5  }
0x20: {  	s15 =	sshrl.u32 s15, $0x3  }
0x21: {  	s16 =	simm.s32 $0x0;
	s15 =	sadd.s32 s4, s15  }
0x22: {  	[tilespmem:s16], [sflag:$0x1] =	stream.linear.gather [hbm4b:s15+s16], $0x6000, $0x38;
	[tilespmem:$0x16000] =	vst v63  }
0x23: {  	_ =	swait.ge [sflag:s10], $0x6000  }
0x24: {  	[sflag:s10] =	ssyncset.done $0x0  }
0x25: {  	s15 =	simm.s32 $0x0;
	[sflag:s10] =	ssyncadd.s32 $0xFFFFA000  }
0x26: {  	v4 =	vld [tilespmem:s15+$0x0];
	_ =	sdelay $0x2  }
0x27: {  	s16 =	simm.s32 $0x40  }
.LBB2_7:
0x28: {  	p1 =	sne.s32 s16, $0x17FC0  }
.Ltmp2:
0x29: {  	s17 =	sshra.s32 s16, $0x2;
	s16 =	sadd.s32 $0x40, s16;
	vm0 =	vgt.s32 v4, $0xFFFFFFFF;
	(pc) =	sbr.rel @p1 .LBB2_7-.Ltmp2, $4  }
0x2a: {  	v5 =	vshrl.u32 v4, $0x10;
	v4 =	vld [tilespmem:s17+$0x0];
	v6 =	vsel vm0, $0x8000, v3  }
0x2b: {  	v5 =	vxor.u32 v5, v6  }
0x2c: {  	v5 =	vor.u32 v0, v5  }
0x2d: {  	[tilespmem:s15+$0xC000] =	vst v5;
	s15 =	smov.u32 s17  }
0x2e: {  	_ = 	snop  }
0x2f: {  	vm0 =	vgt.s32 v4, $0xFFFFFFFF  }
0x30: {  	v4 =	vshrl.u32 v4, $0x10;
	v5 =	vsel vm0, $0x8000, v3  }
0x31: {  	s14 =	sadd.s32 $0x1, s14;
	v4 =	vxor.u32 v4, v5  }
0x32: {  	p1 =	sne.s32 s14, $0x31;
	v4 =	vor.u32 v0, v4  }
.Ltmp3:
0x33: {  	[tilespmem:s15+$0xC000] =	vst v4;
	(pc) =	sbr.rel @p1 .LBB2_6-.Ltmp3, $4  }
0x34: {  	[spmem:s2] =	stream.indirect.scatter.add.f32 [tilespmem:s9], [sflag:$0x1], $0x1, s11, s9, $0xb8;
	[tilespmem:$0x16000] =	vst v63  }
0x35: {  	_ =	swait.ge [sflag:s10], $0x6000  }
0x36: {  	[sflag:s10] =	ssyncset.done $0x0  }
0x37: {  	[sflag:s10] =	ssyncadd.s32 $0xFFFFA000  }
0x38: {  	s3 =	sadd.s32 $0x1, s3  }
0x39: {  	[bflag:$0x0] =	sbarrier.arrive $0xFFFF;
	s14 =	simm.s32 @!p0 $0x1;
	p1 =	sne.s32 s3, s8  }
.Ltmp4:
0x3a: {  	s15 =	simm.s32 @!p0 $0x80;
	s16 =	simm.s32 @!p0 $0x10;
	(pc) =	sbr.rel @p1 .LBB2_1-.Ltmp4, $4  }
0x3b: {  	[hbm:s7@s15], [sflag:s12] =	dma.strided @!p0 [spmem:s13@s16], $0x2000, s14, $0x10   }
0x3c: {  	_ =	swait.ge @!p0 [sflag:s14], $0x2000  }
0x3d: {  	[sflag:s14] =	ssyncset.done @!p0 $0x0  }
0x3e: {  	[sflag:s14] =	ssyncadd.s32 @!p0 $0xFFFFE000  }
0x3f: {  	_ =	sfence.sel $0x180000  }
0x40: {  	[bflag:$0x0] =	sbarrier.arrive $0xFFFF  }
0x41: {  	p0 =	sne.s32 s0, $0x0;
	_ =	strace $0x90000047  }
0x42: {  	s0 =	sadd.s32 @!p0 $0x100000, s1;
	[bflag:$0x2] =	sbarrier.arrive $0xFFFF  }
0x43: {  	[sflag:s0] =	ssyncadd.tile.s32 @!p0 $0x1;
	_ =	shalt  }
.Lfunc_end2:
_tile_overlayer_lowered:
.L_overlay_start_2:
0x44: {  	(tag) =	ssettag $0x2  }
0x45: {  	s0 =	rddreg [dreg:$0x0];
	s2 =	stileid.u32  }
0x46: {  	s1 =	rddreg [dreg:$0x1];
	p0 =	sne.s32 s2, $0x0  }
0x47: {  	s3 =	rddreg [dreg:$0x2];
	[bflag:$0x3] =	sbarrier.arrive $0xFFFF;
	s2 =	simm.s32 @!p0 $0x1C01  }
0x48: {  	[timem:s3], [sflag:s2] =	dma.local @!p0 [hbm:s0], s1  }
0x49: {  	s0 =	simm.s32 @!p0 $0x1  }
0x4a: {  	_ =	swait.ge @!p0 [sflag:s0], s1  }
0x4b: {  	s1 =	ssub.s32 @!p0 $0x0, s1;
	[sflag:s0] =	ssyncset.done @!p0 $0x0  }
0x4c: {  	[sflag:s0] =	ssyncadd.s32 @!p0 s1  }
0x4d: {  	[bflag:$0x3] =	sbarrier.arrive $0xFFFF  }
0x4e: {  	_ =	shalt  }

</sc_bundles>
